<compile_context>
chip_gen: v7x
topology: tpu7x:2x2x1
jax: 0.10.2.dev20260603
libtpu: 0.0.44.dev20260713+nightly
codegen_flags: <defaults>
</compile_context>

<pallas_src>
import functools

import jax
import jax.numpy as jnp
from jax.experimental import pallas as pl
from jax.experimental.pallas import tpu as pltpu
from jax.experimental.pallas import tpu_sc as plsc

_NUM_E = 8192
_DIM = 64
_N = 16384
_BLK = 256
_NBLK = _N // _BLK
_COMMIT = 0.25
_LANES = 128
_CCH = 4096


def _chunk_tournament(xn, en, mm2c, col0):
    rows = xn.shape[0]
    iota = jax.lax.broadcasted_iota(jnp.int32, (rows, _LANES), 1)
    big = jnp.int32(1 << 30)
    acc_v = None
    for b in range(_CCH // _LANES):
        off = b * _LANES
        t = xn + en[:, col0 + off:col0 + off + _LANES]
        cand_v = t + mm2c[:, off:off + _LANES]
        if acc_v is None:
            acc_v, acc_i = cand_v, iota + (col0 + off)
        else:
            win = cand_v < acc_v
            acc_v = jnp.where(win, cand_v, acc_v)
            acc_i = jnp.where(win, iota + (col0 + off), acc_i)
    row_v = jnp.min(acc_v, axis=1)
    tied = acc_v == row_v[:, None]
    row_i = jnp.min(jnp.where(tied, acc_i, big), axis=1)
    return row_v, row_i


def _dist_body(x_ref, xn_ref, et_ref, en_ref, idx_ref, loss_ref):
    x = x_ref[...]
    xn = xn_ref[...]
    x2b = (-2.0 * x).astype(jnp.bfloat16)
    en = en_ref[...]
    half = _NUM_E // 2
    hv = [None, None]
    hi = [None, None]
    for c in range(0, _NUM_E, _CCH):
        mm2c = jax.lax.dot_general(
            x2b, et_ref[:, c:c + _CCH], (((1,), (0,)), ((), ())),
            preferred_element_type=jnp.float32)
        cv, ci = _chunk_tournament(xn, en, mm2c, c)
        h = c // half
        if hv[h] is None:
            hv[h], hi[h] = cv, ci
        else:
            win = cv < hv[h]
            hv[h] = jnp.where(win, cv, hv[h])
            hi[h] = jnp.where(win, ci, hi[h])
    v1, i1, v2, i2 = hv[0], hi[0], hv[1], hi[1]
    v1r = v1.astype(jnp.bfloat16).astype(jnp.float32)
    win2 = v2 < v1r
    idx_ref[0, 0, :] = jnp.where(win2, i2, i1)
    m = jnp.where(win2, v2, v1)

    @pl.when(pl.program_id(0) == 0)
    def _init():
        loss_ref[...] = jnp.zeros((1, 1), jnp.float32)

    loss_ref[...] += jnp.sum(m).reshape(1, 1)


def _distances_argmin(x_flat, xn, et, en):
    return pl.pallas_call(
        _dist_body,
        grid=(_NBLK,),
        in_specs=[
            pl.BlockSpec((_BLK, _DIM), lambda i: (i, 0)),
            pl.BlockSpec((_BLK, 1), lambda i: (i, 0)),
            pl.BlockSpec((_DIM, _NUM_E), lambda i: (0, 0)),
            pl.BlockSpec((1, _NUM_E), lambda i: (0, 0)),
        ],
        out_specs=[
            pl.BlockSpec((1, 1, _BLK), lambda i: (i, 0, 0)),
            pl.BlockSpec((1, 1), lambda i: (0, 0)),
        ],
        out_shape=[
            jax.ShapeDtypeStruct((_NBLK, 1, _BLK), jnp.int32),
            jax.ShapeDtypeStruct((1, 1), jnp.float32),
        ],
    )(x_flat, xn, et, en)


_SC_CORES = 2
_SC_SUBCORES = 16
_SC_WORKERS = _SC_CORES * _SC_SUBCORES
_BPW = _N // _SC_WORKERS
_CHUNK = 128
_NCHUNK = _BPW // _CHUNK
_TW = 128


def _sc_gather(emb, idx_flat):
    mesh = plsc.VectorSubcoreMesh(core_axis_name="c", subcore_axis_name="s")

    @functools.partial(
        pl.kernel, mesh=mesh,
        out_type=jax.ShapeDtypeStruct((_N, _TW), emb.dtype),
        scratch_types=[
            pltpu.VMEM((_CHUNK,), jnp.int32),
            pltpu.VMEM((_CHUNK, _TW), jnp.float32),
            pltpu.SemaphoreType.DMA,
        ],
    )
    def k(table_hbm, idx_hbm, out_hbm, idx_v, rows_v, sem):
        wid = jax.lax.axis_index("s") * _SC_CORES + jax.lax.axis_index("c")
        base = wid * _BPW

        @pl.loop(0, _NCHUNK)
        def _(c):
            off = base + c * _CHUNK
            pltpu.sync_copy(idx_hbm.at[pl.ds(off, _CHUNK)], idx_v)
            pltpu.async_copy(table_hbm.at[idx_v], rows_v, sem).wait()
            pltpu.sync_copy(rows_v, out_hbm.at[pl.ds(off, _CHUNK)])

    return k(emb, idx_flat)


def kernel(inputs, embedding):
    xc = jnp.clip(inputs, -1.0, 1.0)
    xn = jnp.sum(xc ** 2, axis=2).reshape(_N, 1)
    x_flat = xc.reshape(_N, _DIM)
    et = embedding.T.astype(jnp.bfloat16)
    en = jnp.sum(embedding ** 2, axis=1)[None, :]
    idx3, loss_acc = _distances_argmin(x_flat, xn, et, en)
    idx_flat = idx3.reshape(_N)
    table = jnp.pad(embedding, ((0, 0), (0, _TW - _DIM)))
    gathered = _sc_gather(table, idx_flat)
    quantized = gathered[:, :_DIM].reshape(inputs.shape)
    loss = (1.0 + _COMMIT) * loss_acc[0, 0] / jnp.float32(_N * _DIM)
    return (quantized, loss)

# --- scband reference (transcript-rebuilt; emitter-appended) ---
"""Pipeline reference for scband-vector-quantizer-5798205850204 (READ-ONLY COPY).

The authoritative reference and input builder live on the scoring server;
editing this copy changes nothing except your own understanding.
"""

import jax, jax.numpy as jnp
import numpy as np

NUM_EMBEDDINGS = 8192
EMBEDDING_DIM = 64
COMMITMENT_COST = 0.25

def setup_inputs(seed: int = 0) -> dict:
    key = jax.random.key(seed)
    k1, k2 = jax.random.split(key)
    inputs = jax.random.normal(k1, (16, 1024, 64), dtype=jnp.float32)
    embedding = jax.random.uniform(k2, (NUM_EMBEDDINGS, EMBEDDING_DIM), dtype=jnp.float32, minval=-0.1, maxval=0.1)
    return {"inputs": inputs, "embedding": embedding}

def reference(inputs, embedding):
    inputs = jnp.clip(inputs, -1.0, 1.0)
    flat_input = inputs.reshape(-1, EMBEDDING_DIM)
    distances = (jnp.sum(flat_input ** 2, axis=1, keepdims=True)
                 + jnp.sum(embedding ** 2, axis=1)
                 - 2.0 * jnp.matmul(flat_input, embedding.T))
    encoding_indices = jnp.argmin(distances, axis=1)
    quantized = jnp.take(embedding, encoding_indices, axis=0).reshape(inputs.shape)
    loss = (jnp.mean((jax.lax.stop_gradient(quantized) - inputs) ** 2)
            + COMMITMENT_COST * jnp.mean((quantized - jax.lax.stop_gradient(inputs)) ** 2))
    quantized = inputs + jax.lax.stop_gradient(quantized - inputs)
    return (quantized, loss)

if __name__ == "__main__":
    import jax
    _d = setup_inputs()
    print(jax.jit(kernel)(*tuple(_d.values())))

</pallas_src>

<mosaic_0001>
#map = affine_map<(d0, d1) -> (0, 0)>
#map1 = affine_map<(d0, d1) -> (0)>
module attributes {stable_mosaic.version = 14 : i64} {
  func.func @k(%arg0: i32, %arg1: i32, %arg2: memref<8192x128xf32, #tpu.memory_space<hbm>>, %arg3: memref<16384xi32, #tpu.memory_space<hbm>>, %arg4: memref<16384x128xf32, #tpu.memory_space<hbm>>, %arg5: memref<128xi32, #tpu.memory_space<vmem>>, %arg6: memref<128x128xf32, #tpu.memory_space<vmem>>, %arg7: memref<!tpu.dma_semaphore, #tpu.memory_space<semaphore_mem>>) attributes {dimension_semantics = [#tpu.dimension_semantics<core_parallel>, #tpu.dimension_semantics<subcore_parallel>], iteration_bounds = array<i64: 2, 16>, scalar_prefetch = 0 : i64, scratch_operands = 3 : i64, tpu.core_type = #tpu.core_type<sc_vector_subcore>, window_params = [{transform_indices = #map}, {transform_indices = #map1}, {transform_indices = #map}]} {
    %mul3A = arith.constant 2 : i32
    %mul3A_0 = arith.muli %arg1, %mul3A : i32
    %add3A = arith.addi %mul3A_0, %arg0 : i32
    %mul3A_1 = arith.constant 512 : i32
    %mul3A_2 = arith.muli %add3A, %mul3A_1 : i32
    %scan3A = arith.constant 0 : i32
    %scan3A_3 = arith.constant 4 : i32
    %scan3A_4 = arith.addi %scan3A, %scan3A_3 : i32
    %scan3A_5 = arith.constant 1 : i32
    scf.for %scan3A_7 = %scan3A to %scan3A_4 step %scan3A_5  : i32 {
      %mul3A_8 = arith.constant 1 : i32
      %mul3A_9 = arith.muli %scan3A_7, %mul3A_8 : i32
      %add3A_10 = arith.constant 0 : i32
      %add3A_11 = arith.addi %add3A_10, %mul3A_9 : i32
      %mul3A_12 = arith.constant 128 : i32
      %mul3A_13 = arith.muli %add3A_11, %mul3A_12 : i32
      %add3A_14 = arith.addi %mul3A_2, %mul3A_13 : i32
      "tpu.region"() ({
        %run_scoped3A = tpu.sem_alloc : memref<!tpu.dma_semaphore, #tpu.memory_space<semaphore_mem>>
        %dma_start3A_19 = tpu.memref_slice %arg3[%add3A_14] : memref<16384xi32, #tpu.memory_space<hbm>> -> memref<128xi32, #tpu.memory_space<hbm>>
        %dma_start3A_20 = tpu.memref_slice %arg3[%add3A_14] : memref<16384xi32, #tpu.memory_space<hbm>> -> memref<128xi32, #tpu.memory_space<hbm>>
        tpu.enqueue_dma source(%dma_start3A_20 : memref<128xi32, #tpu.memory_space<hbm>>) target(%arg5 : memref<128xi32, #tpu.memory_space<vmem>>) target_semaphore(%run_scoped3A : memref<!tpu.dma_semaphore, #tpu.memory_space<semaphore_mem>>)
        %dma_wait3A_21 = tpu.memref_slice %arg3[%add3A_14] : memref<16384xi32, #tpu.memory_space<hbm>> -> memref<128xi32, #tpu.memory_space<hbm>>
        %dma_wait3A_22 = tpu.memref_slice %arg3[%add3A_14] : memref<16384xi32, #tpu.memory_space<hbm>> -> memref<128xi32, #tpu.memory_space<hbm>>
        tpu.wait_dma2 semaphore(%run_scoped3A : memref<!tpu.dma_semaphore, #tpu.memory_space<semaphore_mem>>) src(%dma_wait3A_22 : memref<128xi32, #tpu.memory_space<hbm>>) dst(%arg5 : memref<128xi32, #tpu.memory_space<vmem>>)
        tpu.yield
      }) : () -> ()
      %dma_start3A = arith.constant 0 : i32
      %dma_start3A_15 = arith.constant 0 : i32
      %dma_start3A_16 = tpu.memref_slice %arg2[%dma_start3A, %dma_start3A_15] : memref<8192x128xf32, #tpu.memory_space<hbm>> -> memref<8192x128xf32, #tpu.memory_space<hbm>>
      tpu.enqueue_indirect_dma source(%dma_start3A_16 : memref<8192x128xf32, #tpu.memory_space<hbm>>) target(%arg6 : memref<128x128xf32, #tpu.memory_space<vmem>>) offsets(%arg5 : memref<128xi32, #tpu.memory_space<vmem>>) semaphore(%arg7 : memref<!tpu.dma_semaphore, #tpu.memory_space<semaphore_mem>>)
      %dma_wait3A = arith.constant 0 : i32
      %dma_wait3A_17 = arith.constant 0 : i32
      %dma_wait3A_18 = tpu.memref_slice %arg2[%dma_wait3A, %dma_wait3A_17] : memref<8192x128xf32, #tpu.memory_space<hbm>> -> memref<8192x128xf32, #tpu.memory_space<hbm>>
      tpu.wait_indirect_dma semaphore(%arg7 : memref<!tpu.dma_semaphore, #tpu.memory_space<semaphore_mem>>) src(%dma_wait3A_18 : memref<8192x128xf32, #tpu.memory_space<hbm>>) dst(%arg6 : memref<128x128xf32, #tpu.memory_space<vmem>>)
      "tpu.region"() ({
        %run_scoped3A = tpu.sem_alloc : memref<!tpu.dma_semaphore, #tpu.memory_space<semaphore_mem>>
        %dma_start3A_19 = arith.constant 0 : i32
        %dma_start3A_20 = tpu.memref_slice %arg4[%add3A_14, %dma_start3A_19] : memref<16384x128xf32, #tpu.memory_space<hbm>> -> memref<128x128xf32, #tpu.memory_space<hbm>>
        %dma_start3A_21 = arith.constant 0 : i32
        %dma_start3A_22 = tpu.memref_slice %arg4[%add3A_14, %dma_start3A_21] : memref<16384x128xf32, #tpu.memory_space<hbm>> -> memref<128x128xf32, #tpu.memory_space<hbm>>
        tpu.enqueue_dma source(%arg6 : memref<128x128xf32, #tpu.memory_space<vmem>>) target(%dma_start3A_22 : memref<128x128xf32, #tpu.memory_space<hbm>>) target_semaphore(%run_scoped3A : memref<!tpu.dma_semaphore, #tpu.memory_space<semaphore_mem>>)
        %dma_wait3A_23 = arith.constant 0 : i32
        %dma_wait3A_24 = tpu.memref_slice %arg4[%add3A_14, %dma_wait3A_23] : memref<16384x128xf32, #tpu.memory_space<hbm>> -> memref<128x128xf32, #tpu.memory_space<hbm>>
        %dma_wait3A_25 = arith.constant 0 : i32
        %dma_wait3A_26 = tpu.memref_slice %arg4[%add3A_14, %dma_wait3A_25] : memref<16384x128xf32, #tpu.memory_space<hbm>> -> memref<128x128xf32, #tpu.memory_space<hbm>>
        tpu.wait_dma2 semaphore(%run_scoped3A : memref<!tpu.dma_semaphore, #tpu.memory_space<semaphore_mem>>) src(%arg6 : memref<128x128xf32, #tpu.memory_space<vmem>>) dst(%dma_wait3A_26 : memref<128x128xf32, #tpu.memory_space<hbm>>)
        tpu.yield
      }) : () -> ()
    }
    %scan3A_6 = arith.constant 4 : i32
    return
  }
}

module attributes {stable_mosaic.version = 14 : i64} {
  func.func @_dist_body(%arg0: i32, %arg1: memref<256x64xf32, #tpu.memory_space<vmem>>, %arg2: memref<256x1xf32, #tpu.memory_space<vmem>>, %arg3: memref<64x8192xbf16, #tpu.memory_space<vmem>>, %arg4: memref<1x8192xf32, #tpu.memory_space<vmem>>, %arg5: memref<1x1x256xi32, #tpu.memory_space<vmem>>, %arg6: memref<1x1xf32, #tpu.memory_space<vmem>>) attributes {dimension_semantics = [#tpu.dimension_semantics<arbitrary>], iteration_bounds = array<i64: 64>, scalar_prefetch = 0 : i64, scratch_operands = 0 : i64, tpu.core_type = #tpu.core_type<tc>, window_params = [{transform_indices = @transform_0, window_bounds = array<i64: 256, 64>}, {transform_indices = @transform_1, window_bounds = array<i64: 256, 1>}, {pipeline_mode = #tpu.pipeline_mode<synchronous>, transform_indices = @transform_2, window_bounds = array<i64: 64, 8192>}, {pipeline_mode = #tpu.pipeline_mode<synchronous>, transform_indices = @transform_3, window_bounds = array<i64: 1, 8192>}, {transform_indices = @transform_4, window_bounds = array<i64: 1, 1, 256>}, {pipeline_mode = #tpu.pipeline_mode<synchronous>, transform_indices = @transform_5, window_bounds = array<i64: 1, 1>}]} {
    %get3A = arith.constant 0 : index
    %get3A_0 = arith.constant 0 : index
    %get3A_1 = vector.load %arg1[%get3A, %get3A_0] : memref<256x64xf32, #tpu.memory_space<vmem>>, vector<256x64xf32>
    %get3A_2 = arith.constant 0 : index
    %get3A_3 = arith.constant 0 : index
    %get3A_4 = vector.load %arg2[%get3A_2, %get3A_3] : memref<256x1xf32, #tpu.memory_space<vmem>>, vector<256x1xf32>
    %mul3A = arith.constant -2.000000e+00 : f32
    %mul3A_5 = vector.broadcast %mul3A : f32 to vector<256x64xf32>
    %mul3A_6 = arith.mulf %mul3A_5, %get3A_1 : vector<256x64xf32>
    %convert_element_type3A = arith.truncf %mul3A_6 : vector<256x64xf32> to vector<256x64xbf16>
    %get3A_7 = arith.constant 0 : index
    %get3A_8 = arith.constant 0 : index
    %get3A_9 = vector.load %arg4[%get3A_7, %get3A_8] : memref<1x8192xf32, #tpu.memory_space<vmem>>, vector<1x8192xf32>
    %get3A_10 = arith.constant 0 : index
    %get3A_11 = arith.constant 0 : index
    %get3A_12 = vector.load %arg3[%get3A_10, %get3A_11] : memref<64x8192xbf16, #tpu.memory_space<vmem>>, vector<64x4096xbf16>
    %dot_general3A = arith.constant dense<0.000000e+00> : vector<256x4096xf32>
    %dot_general3A_13 = tpu.matmul %convert_element_type3A, %get3A_12, %dot_general3A {dimension_numbers = #tpu.dot_dimension_numbers<[1], [0], [0], [1], [0, 0, 1, 1], [], []>, transpose_lhs_hint = false} : vector<256x64xbf16>, vector<64x4096xbf16>, vector<256x4096xf32> -> vector<256x4096xf32>
    %iota3A = tpu.iota {dimensions = array<i32: 1>} : vector<256x128xi32>
    %slice3A = vector.extract_strided_slice %get3A_9 {offsets = [0, 0], sizes = [1, 128], strides = [1, 1]} : vector<1x8192xf32> to vector<1x128xf32>
    %add3A = vector.broadcast %get3A_4 : vector<256x1xf32> to vector<256x128xf32>
    %add3A_14 = vector.broadcast %slice3A : vector<1x128xf32> to vector<256x128xf32>
    %add3A_15 = arith.addf %add3A, %add3A_14 : vector<256x128xf32>
    %slice3A_16 = vector.extract_strided_slice %dot_general3A_13 {offsets = [0, 0], sizes = [256, 128], strides = [1, 1]} : vector<256x4096xf32> to vector<256x128xf32>
    %add3A_17 = arith.addf %add3A_15, %slice3A_16 : vector<256x128xf32>
    %add3A_18 = arith.constant 0 : i32
    %add3A_19 = vector.broadcast %add3A_18 : i32 to vector<256x128xi32>
    %add3A_20 = arith.addi %iota3A, %add3A_19 : vector<256x128xi32>
    %slice3A_21 = vector.extract_strided_slice %get3A_9 {offsets = [0, 128], sizes = [1, 128], strides = [1, 1]} : vector<1x8192xf32> to vector<1x128xf32>
    %add3A_22 = vector.broadcast %get3A_4 : vector<256x1xf32> to vector<256x128xf32>
    %add3A_23 = vector.broadcast %slice3A_21 : vector<1x128xf32> to vector<256x128xf32>
    %add3A_24 = arith.addf %add3A_22, %add3A_23 : vector<256x128xf32>
    %slice3A_25 = vector.extract_strided_slice %dot_general3A_13 {offsets = [0, 128], sizes = [256, 128], strides = [1, 1]} : vector<256x4096xf32> to vector<256x128xf32>
    %add3A_26 = arith.addf %add3A_24, %slice3A_25 : vector<256x128xf32>
    %lt3A = arith.cmpf olt, %add3A_26, %add3A_17 : vector<256x128xf32>
    %select_n3A = arith.select %lt3A, %add3A_26, %add3A_17 : vector<256x128xi1>, vector<256x128xf32>
    %add3A_27 = arith.constant 128 : i32
    %add3A_28 = vector.broadcast %add3A_27 : i32 to vector<256x128xi32>
    %add3A_29 = arith.addi %iota3A, %add3A_28 : vector<256x128xi32>
    %select_n3A_30 = arith.select %lt3A, %add3A_29, %add3A_20 : vector<256x128xi1>, vector<256x128xi32>
    %slice3A_31 = vector.extract_strided_slice %get3A_9 {offsets = [0, 256], sizes = [1, 128], strides = [1, 1]} : vector<1x8192xf32> to vector<1x128xf32>
    %add3A_32 = vector.broadcast %get3A_4 : vector<256x1xf32> to vector<256x128xf32>
    %add3A_33 = vector.broadcast %slice3A_31 : vector<1x128xf32> to vector<256x128xf32>
    %add3A_34 = arith.addf %add3A_32, %add3A_33 : vector<256x128xf32>
    %slice3A_35 = vector.extract_strided_slice %dot_general3A_13 {offsets = [0, 256], sizes = [256, 128], strides = [1, 1]} : vector<256x4096xf32> to vector<256x128xf32>
    %add3A_36 = arith.addf %add3A_34, %slice3A_35 : vector<256x128xf32>
    %lt3A_37 = arith.cmpf olt, %add3A_36, %select_n3A : vector<256x128xf32>
    %select_n3A_38 = arith.select %lt3A_37, %add3A_36, %select_n3A : vector<256x128xi1>, vector<256x128xf32>
    %add3A_39 = arith.constant 256 : i32
    %add3A_40 = vector.broadcast %add3A_39 : i32 to vector<256x128xi32>
    %add3A_41 = arith.addi %iota3A, %add3A_40 : vector<256x128xi32>
    %select_n3A_42 = arith.select %lt3A_37, %add3A_41, %select_n3A_30 : vector<256x128xi1>, vector<256x128xi32>
    %slice3A_43 = vector.extract_strided_slice %get3A_9 {offsets = [0, 384], sizes = [1, 128], strides = [1, 1]} : vector<1x8192xf32> to vector<1x128xf32>
    %add3A_44 = vector.broadcast %get3A_4 : vector<256x1xf32> to vector<256x128xf32>
    %add3A_45 = vector.broadcast %slice3A_43 : vector<1x128xf32> to vector<256x128xf32>
    %add3A_46 = arith.addf %add3A_44, %add3A_45 : vector<256x128xf32>
    %slice3A_47 = vector.extract_strided_slice %dot_general3A_13 {offsets = [0, 384], sizes = [256, 128], strides = [1, 1]} : vector<256x4096xf32> to vector<256x128xf32>
    %add3A_48 = arith.addf %add3A_46, %slice3A_47 : vector<256x128xf32>
    %lt3A_49 = arith.cmpf olt, %add3A_48, %select_n3A_38 : vector<256x128xf32>
    %select_n3A_50 = arith.select %lt3A_49, %add3A_48, %select_n3A_38 : vector<256x128xi1>, vector<256x128xf32>
    %add3A_51 = arith.constant 384 : i32
    %add3A_52 = vector.broadcast %add3A_51 : i32 to vector<256x128xi32>
    %add3A_53 = arith.addi %iota3A, %add3A_52 : vector<256x128xi32>
    %select_n3A_54 = arith.select %lt3A_49, %add3A_53, %select_n3A_42 : vector<256x128xi1>, vector<256x128xi32>
    %slice3A_55 = vector.extract_strided_slice %get3A_9 {offsets = [0, 512], sizes = [1, 128], strides = [1, 1]} : vector<1x8192xf32> to vector<1x128xf32>
    %add3A_56 = vector.broadcast %get3A_4 : vector<256x1xf32> to vector<256x128xf32>
    %add3A_57 = vector.broadcast %slice3A_55 : vector<1x128xf32> to vector<256x128xf32>
    %add3A_58 = arith.addf %add3A_56, %add3A_57 : vector<256x128xf32>
    %slice3A_59 = vector.extract_strided_slice %dot_general3A_13 {offsets = [0, 512], sizes = [256, 128], strides = [1, 1]} : vector<256x4096xf32> to vector<256x128xf32>
    %add3A_60 = arith.addf %add3A_58, %slice3A_59 : vector<256x128xf32>
    %lt3A_61 = arith.cmpf olt, %add3A_60, %select_n3A_50 : vector<256x128xf32>
    %select_n3A_62 = arith.select %lt3A_61, %add3A_60, %select_n3A_50 : vector<256x128xi1>, vector<256x128xf32>
    %add3A_63 = arith.constant 512 : i32
    %add3A_64 = vector.broadcast %add3A_63 : i32 to vector<256x128xi32>
    %add3A_65 = arith.addi %iota3A, %add3A_64 : vector<256x128xi32>
    %select_n3A_66 = arith.select %lt3A_61, %add3A_65, %select_n3A_54 : vector<256x128xi1>, vector<256x128xi32>
    %slice3A_67 = vector.extract_strided_slice %get3A_9 {offsets = [0, 640], sizes = [1, 128], strides = [1, 1]} : vector<1x8192xf32> to vector<1x128xf32>
    %add3A_68 = vector.broadcast %get3A_4 : vector<256x1xf32> to vector<256x128xf32>
    %add3A_69 = vector.broadcast %slice3A_67 : vector<1x128xf32> to vector<256x128xf32>
    %add3A_70 = arith.addf %add3A_68, %add3A_69 : vector<256x128xf32>
    %slice3A_71 = vector.extract_strided_slice %dot_general3A_13 {offsets = [0, 640], sizes = [256, 128], strides = [1, 1]} : vector<256x4096xf32> to vector<256x128xf32>
    %add3A_72 = arith.addf %add3A_70, %slice3A_71 : vector<256x128xf32>
    %lt3A_73 = arith.cmpf olt, %add3A_72, %select_n3A_62 : vector<256x128xf32>
    %select_n3A_74 = arith.select %lt3A_73, %add3A_72, %select_n3A_62 : vector<256x128xi1>, vector<256x128xf32>
    %add3A_75 = arith.constant 640 : i32
    %add3A_76 = vector.broadcast %add3A_75 : i32 to vector<256x128xi32>
    %add3A_77 = arith.addi %iota3A, %add3A_76 : vector<256x128xi32>
    %select_n3A_78 = arith.select %lt3A_73, %add3A_77, %select_n3A_66 : vector<256x128xi1>, vector<256x128xi32>
    %slice3A_79 = vector.extract_strided_slice %get3A_9 {offsets = [0, 768], sizes = [1, 128], strides = [1, 1]} : vector<1x8192xf32> to vector<1x128xf32>
    %add3A_80 = vector.broadcast %get3A_4 : vector<256x1xf32> to vector<256x128xf32>
    %add3A_81 = vector.broadcast %slice3A_79 : vector<1x128xf32> to vector<256x128xf32>
    %add3A_82 = arith.addf %add3A_80, %add3A_81 : vector<256x128xf32>
    %slice3A_83 = vector.extract_strided_slice %dot_general3A_13 {offsets = [0, 768], sizes = [256, 128], strides = [1, 1]} : vector<256x4096xf32> to vector<256x128xf32>
    %add3A_84 = arith.addf %add3A_82, %slice3A_83 : vector<256x128xf32>
    %lt3A_85 = arith.cmpf olt, %add3A_84, %select_n3A_74 : vector<256x128xf32>
    %select_n3A_86 = arith.select %lt3A_85, %add3A_84, %select_n3A_74 : vector<256x128xi1>, vector<256x128xf32>
    %add3A_87 = arith.constant 768 : i32
    %add3A_88 = vector.broadcast %add3A_87 : i32 to vector<256x128xi32>
    %add3A_89 = arith.addi %iota3A, %add3A_88 : vector<256x128xi32>
    %select_n3A_90 = arith.select %lt3A_85, %add3A_89, %select_n3A_78 : vector<256x128xi1>, vector<256x128xi32>
    %slice3A_91 = vector.extract_strided_slice %get3A_9 {offsets = [0, 896], sizes = [1, 128], strides = [1, 1]} : vector<1x8192xf32> to vector<1x128xf32>
    %add3A_92 = vector.broadcast %get3A_4 : vector<256x1xf32> to vector<256x128xf32>
    %add3A_93 = vector.broadcast %slice3A_91 : vector<1x128xf32> to vector<256x128xf32>
    %add3A_94 = arith.addf %add3A_92, %add3A_93 : vector<256x128xf32>
    %slice3A_95 = vector.extract_strided_slice %dot_general3A_13 {offsets = [0, 896], sizes = [256, 128], strides = [1, 1]} : vector<256x4096xf32> to vector<256x128xf32>
    %add3A_96 = arith.addf %add3A_94, %slice3A_95 : vector<256x128xf32>
    %lt3A_97 = arith.cmpf olt, %add3A_96, %select_n3A_86 : vector<256x128xf32>
    %select_n3A_98 = arith.select %lt3A_97, %add3A_96, %select_n3A_86 : vector<256x128xi1>, vector<256x128xf32>
    %add3A_99 = arith.constant 896 : i32
    %add3A_100 = vector.broadcast %add3A_99 : i32 to vector<256x128xi32>
    %add3A_101 = arith.addi %iota3A, %add3A_100 : vector<256x128xi32>
    %select_n3A_102 = arith.select %lt3A_97, %add3A_101, %select_n3A_90 : vector<256x128xi1>, vector<256x128xi32>
    %slice3A_103 = vector.extract_strided_slice %get3A_9 {offsets = [0, 1024], sizes = [1, 128], strides = [1, 1]} : vector<1x8192xf32> to vector<1x128xf32>
    %add3A_104 = vector.broadcast %get3A_4 : vector<256x1xf32> to vector<256x128xf32>
    %add3A_105 = vector.broadcast %slice3A_103 : vector<1x128xf32> to vector<256x128xf32>
    %add3A_106 = arith.addf %add3A_104, %add3A_105 : vector<256x128xf32>
    %slice3A_107 = vector.extract_strided_slice %dot_general3A_13 {offsets = [0, 1024], sizes = [256, 128], strides = [1, 1]} : vector<256x4096xf32> to vector<256x128xf32>
    %add3A_108 = arith.addf %add3A_106, %slice3A_107 : vector<256x128xf32>
    %lt3A_109 = arith.cmpf olt, %add3A_108, %select_n3A_98 : vector<256x128xf32>
    %select_n3A_110 = arith.select %lt3A_109, %add3A_108, %select_n3A_98 : vector<256x128xi1>, vector<256x128xf32>
    %add3A_111 = arith.constant 1024 : i32
    %add3A_112 = vector.broadcast %add3A_111 : i32 to vector<256x128xi32>
    %add3A_113 = arith.addi %iota3A, %add3A_112 : vector<256x128xi32>
    %select_n3A_114 = arith.select %lt3A_109, %add3A_113, %select_n3A_102 : vector<256x128xi1>, vector<256x128xi32>
    %slice3A_115 = vector.extract_strided_slice %get3A_9 {offsets = [0, 1152], sizes = [1, 128], strides = [1, 1]} : vector<1x8192xf32> to vector<1x128xf32>
    %add3A_116 = vector.broadcast %get3A_4 : vector<256x1xf32> to vector<256x128xf32>
    %add3A_117 = vector.broadcast %slice3A_115 : vector<1x128xf32> to vector<256x128xf32>
    %add3A_118 = arith.addf %add3A_116, %add3A_117 : vector<256x128xf32>
    %slice3A_119 = vector.extract_strided_slice %dot_general3A_13 {offsets = [0, 1152], sizes = [256, 128], strides = [1, 1]} : vector<256x4096xf32> to vector<256x128xf32>
    %add3A_120 = arith.addf %add3A_118, %slice3A_119 : vector<256x128xf32>
    %lt3A_121 = arith.cmpf olt, %add3A_120, %select_n3A_110 : vector<256x128xf32>
    %select_n3A_122 = arith.select %lt3A_121, %add3A_120, %select_n3A_110 : vector<256x128xi1>, vector<256x128xf32>
    %add3A_123 = arith.constant 1152 : i32
    %add3A_124 = vector.broadcast %add3A_123 : i32 to vector<256x128xi32>
    %add3A_125 = arith.addi %iota3A, %add3A_124 : vector<256x128xi32>
    %select_n3A_126 = arith.select %lt3A_121, %add3A_125, %select_n3A_114 : vector<256x128xi1>, vector<256x128xi32>
    %slice3A_127 = vector.extract_strided_slice %get3A_9 {offsets = [0, 1280], sizes = [1, 128], strides = [1, 1]} : vector<1x8192xf32> to vector<1x128xf32>
    %add3A_128 = vector.broadcast %get3A_4 : vector<256x1xf32> to vector<256x128xf32>
    %add3A_129 = vector.broadcast %slice3A_127 : vector<1x128xf32> to vector<256x128xf32>
    %add3A_130 = arith.addf %add3A_128, %add3A_129 : vector<256x128xf32>
    %slice3A_131 = vector.extract_strided_slice %dot_general3A_13 {offsets = [0, 1280], sizes = [256, 128], strides = [1, 1]} : vector<256x4096xf32> to vector<256x128xf32>
    %add3A_132 = arith.addf %add3A_130, %slice3A_131 : vector<256x128xf32>
    %lt3A_133 = arith.cmpf olt, %add3A_132, %select_n3A_122 : vector<256x128xf32>
    %select_n3A_134 = arith.select %lt3A_133, %add3A_132, %select_n3A_122 : vector<256x128xi1>, vector<256x128xf32>
    %add3A_135 = arith.constant 1280 : i32
    %add3A_136 = vector.broadcast %add3A_135 : i32 to vector<256x128xi32>
    %add3A_137 = arith.addi %iota3A, %add3A_136 : vector<256x128xi32>
    %select_n3A_138 = arith.select %lt3A_133, %add3A_137, %select_n3A_126 : vector<256x128xi1>, vector<256x128xi32>
    %slice3A_139 = vector.extract_strided_slice %get3A_9 {offsets = [0, 1408], sizes = [1, 128], strides = [1, 1]} : vector<1x8192xf32> to vector<1x128xf32>
    %add3A_140 = vector.broadcast %get3A_4 : vector<256x1xf32> to vector<256x128xf32>
    %add3A_141 = vector.broadcast %slice3A_139 : vector<1x128xf32> to vector<256x128xf32>
    %add3A_142 = arith.addf %add3A_140, %add3A_141 : vector<256x128xf32>
    %slice3A_143 = vector.extract_strided_slice %dot_general3A_13 {offsets = [0, 1408], sizes = [256, 128], strides = [1, 1]} : vector<256x4096xf32> to vector<256x128xf32>
    %add3A_144 = arith.addf %add3A_142, %slice3A_143 : vector<256x128xf32>
    %lt3A_145 = arith.cmpf olt, %add3A_144, %select_n3A_134 : vector<256x128xf32>
    %select_n3A_146 = arith.select %lt3A_145, %add3A_144, %select_n3A_134 : vector<256x128xi1>, vector<256x128xf32>
    %add3A_147 = arith.constant 1408 : i32
    %add3A_148 = vector.broadcast %add3A_147 : i32 to vector<256x128xi32>
    %add3A_149 = arith.addi %iota3A, %add3A_148 : vector<256x128xi32>
    %select_n3A_150 = arith.select %lt3A_145, %add3A_149, %select_n3A_138 : vector<256x128xi1>, vector<256x128xi32>
    %slice3A_151 = vector.extract_strided_slice %get3A_9 {offsets = [0, 1536], sizes = [1, 128], strides = [1, 1]} : vector<1x8192xf32> to vector<1x128xf32>
    %add3A_152 = vector.broadcast %get3A_4 : vector<256x1xf32> to vector<256x128xf32>
    %add3A_153 = vector.broadcast %slice3A_151 : vector<1x128xf32> to vector<256x128xf32>
    %add3A_154 = arith.addf %add3A_152, %add3A_153 : vector<256x128xf32>
    %slice3A_155 = vector.extract_strided_slice %dot_general3A_13 {offsets = [0, 1536], sizes = [256, 128], strides = [1, 1]} : vector<256x4096xf32> to vector<256x128xf32>
    %add3A_156 = arith.addf %add3A_154, %slice3A_155 : vector<256x128xf32>
    %lt3A_157 = arith.cmpf olt, %add3A_156, %select_n3A_146 : vector<256x128xf32>
    %select_n3A_158 = arith.select %lt3A_157, %add3A_156, %select_n3A_146 : vector<256x128xi1>, vector<256x128xf32>
    %add3A_159 = arith.constant 1536 : i32
    %add3A_160 = vector.broadcast %add3A_159 : i32 to vector<256x128xi32>
    %add3A_161 = arith.addi %iota3A, %add3A_160 : vector<256x128xi32>
    %select_n3A_162 = arith.select %lt3A_157, %add3A_161, %select_n3A_150 : vector<256x128xi1>, vector<256x128xi32>
    %slice3A_163 = vector.extract_strided_slice %get3A_9 {offsets = [0, 1664], sizes = [1, 128], strides = [1, 1]} : vector<1x8192xf32> to vector<1x128xf32>
    %add3A_164 = vector.broadcast %get3A_4 : vector<256x1xf32> to vector<256x128xf32>
    %add3A_165 = vector.broadcast %slice3A_163 : vector<1x128xf32> to vector<256x128xf32>
    %add3A_166 = arith.addf %add3A_164, %add3A_165 : vector<256x128xf32>
    %slice3A_167 = vector.extract_strided_slice %dot_general3A_13 {offsets = [0, 1664], sizes = [256, 128], strides = [1, 1]} : vector<256x4096xf32> to vector<256x128xf32>
    %add3A_168 = arith.addf %add3A_166, %slice3A_167 : vector<256x128xf32>
    %lt3A_169 = arith.cmpf olt, %add3A_168, %select_n3A_158 : vector<256x128xf32>
    %select_n3A_170 = arith.select %lt3A_169, %add3A_168, %select_n3A_158 : vector<256x128xi1>, vector<256x128xf32>
    %add3A_171 = arith.constant 1664 : i32
    %add3A_172 = vector.broadcast %add3A_171 : i32 to vector<256x128xi32>
    %add3A_173 = arith.addi %iota3A, %add3A_172 : vector<256x128xi32>
    %select_n3A_174 = arith.select %lt3A_169, %add3A_173, %select_n3A_162 : vector<256x128xi1>, vector<256x128xi32>
    %slice3A_175 = vector.extract_strided_slice %get3A_9 {offsets = [0, 1792], sizes = [1, 128], strides = [1, 1]} : vector<1x8192xf32> to vector<1x128xf32>
    %add3A_176 = vector.broadcast %get3A_4 : vector<256x1xf32> to vector<256x128xf32>
    %add3A_177 = vector.broadcast %slice3A_175 : vector<1x128xf32> to vector<256x128xf32>
    %add3A_178 = arith.addf %add3A_176, %add3A_177 : vector<256x128xf32>
    %slice3A_179 = vector.extract_strided_slice %dot_general3A_13 {offsets = [0, 1792], sizes = [256, 128], strides = [1, 1]} : vector<256x4096xf32> to vector<256x128xf32>
    %add3A_180 = arith.addf %add3A_178, %slice3A_179 : vector<256x128xf32>
    %lt3A_181 = arith.cmpf olt, %add3A_180, %select_n3A_170 : vector<256x128xf32>
    %select_n3A_182 = arith.select %lt3A_181, %add3A_180, %select_n3A_170 : vector<256x128xi1>, vector<256x128xf32>
    %add3A_183 = arith.constant 1792 : i32
    %add3A_184 = vector.broadcast %add3A_183 : i32 to vector<256x128xi32>
    %add3A_185 = arith.addi %iota3A, %add3A_184 : vector<256x128xi32>
    %select_n3A_186 = arith.select %lt3A_181, %add3A_185, %select_n3A_174 : vector<256x128xi1>, vector<256x128xi32>
    %slice3A_187 = vector.extract_strided_slice %get3A_9 {offsets = [0, 1920], sizes = [1, 128], strides = [1, 1]} : vector<1x8192xf32> to vector<1x128xf32>
    %add3A_188 = vector.broadcast %get3A_4 : vector<256x1xf32> to vector<256x128xf32>
    %add3A_189 = vector.broadcast %slice3A_187 : vector<1x128xf32> to vector<256x128xf32>
    %add3A_190 = arith.addf %add3A_188, %add3A_189 : vector<256x128xf32>
    %slice3A_191 = vector.extract_strided_slice %dot_general3A_13 {offsets = [0, 1920], sizes = [256, 128], strides = [1, 1]} : vector<256x4096xf32> to vector<256x128xf32>
    %add3A_192 = arith.addf %add3A_190, %slice3A_191 : vector<256x128xf32>
    %lt3A_193 = arith.cmpf olt, %add3A_192, %select_n3A_182 : vector<256x128xf32>
    %select_n3A_194 = arith.select %lt3A_193, %add3A_192, %select_n3A_182 : vector<256x128xi1>, vector<256x128xf32>
    %add3A_195 = arith.constant 1920 : i32
    %add3A_196 = vector.broadcast %add3A_195 : i32 to vector<256x128xi32>
    %add3A_197 = arith.addi %iota3A, %add3A_196 : vector<256x128xi32>
    %select_n3A_198 = arith.select %lt3A_193, %add3A_197, %select_n3A_186 : vector<256x128xi1>, vector<256x128xi32>
    %slice3A_199 = vector.extract_strided_slice %get3A_9 {offsets = [0, 2048], sizes = [1, 128], strides = [1, 1]} : vector<1x8192xf32> to vector<1x128xf32>
    %add3A_200 = vector.broadcast %get3A_4 : vector<256x1xf32> to vector<256x128xf32>
    %add3A_201 = vector.broadcast %slice3A_199 : vector<1x128xf32> to vector<256x128xf32>
    %add3A_202 = arith.addf %add3A_200, %add3A_201 : vector<256x128xf32>
    %slice3A_203 = vector.extract_strided_slice %dot_general3A_13 {offsets = [0, 2048], sizes = [256, 128], strides = [1, 1]} : vector<256x4096xf32> to vector<256x128xf32>
    %add3A_204 = arith.addf %add3A_202, %slice3A_203 : vector<256x128xf32>
    %lt3A_205 = arith.cmpf olt, %add3A_204, %select_n3A_194 : vector<256x128xf32>
    %select_n3A_206 = arith.select %lt3A_205, %add3A_204, %select_n3A_194 : vector<256x128xi1>, vector<256x128xf32>
    %add3A_207 = arith.constant 2048 : i32
    %add3A_208 = vector.broadcast %add3A_207 : i32 to vector<256x128xi32>
    %add3A_209 = arith.addi %iota3A, %add3A_208 : vector<256x128xi32>
    %select_n3A_210 = arith.select %lt3A_205, %add3A_209, %select_n3A_198 : vector<256x128xi1>, vector<256x128xi32>
    %slice3A_211 = vector.extract_strided_slice %get3A_9 {offsets = [0, 2176], sizes = [1, 128], strides = [1, 1]} : vector<1x8192xf32> to vector<1x128xf32>
    %add3A_212 = vector.broadcast %get3A_4 : vector<256x1xf32> to vector<256x128xf32>
    %add3A_213 = vector.broadcast %slice3A_211 : vector<1x128xf32> to vector<256x128xf32>
    %add3A_214 = arith.addf %add3A_212, %add3A_213 : vector<256x128xf32>
    %slice3A_215 = vector.extract_strided_slice %dot_general3A_13 {offsets = [0, 2176], sizes = [256, 128], strides = [1, 1]} : vector<256x4096xf32> to vector<256x128xf32>
    %add3A_216 = arith.addf %add3A_214, %slice3A_215 : vector<256x128xf32>
    %lt3A_217 = arith.cmpf olt, %add3A_216, %select_n3A_206 : vector<256x128xf32>
    %select_n3A_218 = arith.select %lt3A_217, %add3A_216, %select_n3A_206 : vector<256x128xi1>, vector<256x128xf32>
    %add3A_219 = arith.constant 2176 : i32
    %add3A_220 = vector.broadcast %add3A_219 : i32 to vector<256x128xi32>
    %add3A_221 = arith.addi %iota3A, %add3A_220 : vector<256x128xi32>
    %select_n3A_222 = arith.select %lt3A_217, %add3A_221, %select_n3A_210 : vector<256x128xi1>, vector<256x128xi32>
    %slice3A_223 = vector.extract_strided_slice %get3A_9 {offsets = [0, 2304], sizes = [1, 128], strides = [1, 1]} : vector<1x8192xf32> to vector<1x128xf32>
    %add3A_224 = vector.broadcast %get3A_4 : vector<256x1xf32> to vector<256x128xf32>
    %add3A_225 = vector.broadcast %slice3A_223 : vector<1x128xf32> to vector<256x128xf32>
    %add3A_226 = arith.addf %add3A_224, %add3A_225 : vector<256x128xf32>
    %slice3A_227 = vector.extract_strided_slice %dot_general3A_13 {offsets = [0, 2304], sizes = [256, 128], strides = [1, 1]} : vector<256x4096xf32> to vector<256x128xf32>
    %add3A_228 = arith.addf %add3A_226, %slice3A_227 : vector<256x128xf32>
    %lt3A_229 = arith.cmpf olt, %add3A_228, %select_n3A_218 : vector<256x128xf32>
    %select_n3A_230 = arith.select %lt3A_229, %add3A_228, %select_n3A_218 : vector<256x128xi1>, vector<256x128xf32>
    %add3A_231 = arith.constant 2304 : i32
    %add3A_232 = vector.broadcast %add3A_231 : i32 to vector<256x128xi32>
    %add3A_233 = arith.addi %iota3A, %add3A_232 : vector<256x128xi32>
    %select_n3A_234 = arith.select %lt3A_229, %add3A_233, %select_n3A_222 : vector<256x128xi1>, vector<256x128xi32>
    %slice3A_235 = vector.extract_strided_slice %get3A_9 {offsets = [0, 2432], sizes = [1, 128], strides = [1, 1]} : vector<1x8192xf32> to vector<1x128xf32>
    %add3A_236 = vector.broadcast %get3A_4 : vector<256x1xf32> to vector<256x128xf32>
    %add3A_237 = vector.broadcast %slice3A_235 : vector<1x128xf32> to vector<256x128xf32>
    %add3A_238 = arith.addf %add3A_236, %add3A_237 : vector<256x128xf32>
    %slice3A_239 = vector.extract_strided_slice %dot_general3A_13 {offsets = [0, 2432], sizes = [256, 128], strides = [1, 1]} : vector<256x4096xf32> to vector<256x128xf32>
    %add3A_240 = arith.addf %add3A_238, %slice3A_239 : vector<256x128xf32>
    %lt3A_241 = arith.cmpf olt, %add3A_240, %select_n3A_230 : vector<256x128xf32>
    %select_n3A_242 = arith.select %lt3A_241, %add3A_240, %select_n3A_230 : vector<256x128xi1>, vector<256x128xf32>
    %add3A_243 = arith.constant 2432 : i32
    %add3A_244 = vector.broadcast %add3A_243 : i32 to vector<256x128xi32>
    %add3A_245 = arith.addi %iota3A, %add3A_244 : vector<256x128xi32>
    %select_n3A_246 = arith.select %lt3A_241, %add3A_245, %select_n3A_234 : vector<256x128xi1>, vector<256x128xi32>
    %slice3A_247 = vector.extract_strided_slice %get3A_9 {offsets = [0, 2560], sizes = [1, 128], strides = [1, 1]} : vector<1x8192xf32> to vector<1x128xf32>
    %add3A_248 = vector.broadcast %get3A_4 : vector<256x1xf32> to vector<256x128xf32>
    %add3A_249 = vector.broadcast %slice3A_247 : vector<1x128xf32> to vector<256x128xf32>
    %add3A_250 = arith.addf %add3A_248, %add3A_249 : vector<256x128xf32>
    %slice3A_251 = vector.extract_strided_slice %dot_general3A_13 {offsets = [0, 2560], sizes = [256, 128], strides = [1, 1]} : vector<256x4096xf32> to vector<256x128xf32>
    %add3A_252 = arith.addf %add3A_250, %slice3A_251 : vector<256x128xf32>
    %lt3A_253 = arith.cmpf olt, %add3A_252, %select_n3A_242 : vector<256x128xf32>
    %select_n3A_254 = arith.select %lt3A_253, %add3A_252, %select_n3A_242 : vector<256x128xi1>, vector<256x128xf32>
    %add3A_255 = arith.constant 2560 : i32
    %add3A_256 = vector.broadcast %add3A_255 : i32 to vector<256x128xi32>
    %add3A_257 = arith.addi %iota3A, %add3A_256 : vector<256x128xi32>
    %select_n3A_258 = arith.select %lt3A_253, %add3A_257, %select_n3A_246 : vector<256x128xi1>, vector<256x128xi32>
    %slice3A_259 = vector.extract_strided_slice %get3A_9 {offsets = [0, 2688], sizes = [1, 128], strides = [1, 1]} : vector<1x8192xf32> to vector<1x128xf32>
    %add3A_260 = vector.broadcast %get3A_4 : vector<256x1xf32> to vector<256x128xf32>
    %add3A_261 = vector.broadcast %slice3A_259 : vector<1x128xf32> to vector<256x128xf32>
    %add3A_262 = arith.addf %add3A_260, %add3A_261 : vector<256x128xf32>
    %slice3A_263 = vector.extract_strided_slice %dot_general3A_13 {offsets = [0, 2688], sizes = [256, 128], strides = [1, 1]} : vector<256x4096xf32> to vector<256x128xf32>
    %add3A_264 = arith.addf %add3A_262, %slice3A_263 : vector<256x128xf32>
    %lt3A_265 = arith.cmpf olt, %add3A_264, %select_n3A_254 : vector<256x128xf32>
    %select_n3A_266 = arith.select %lt3A_265, %add3A_264, %select_n3A_254 : vector<256x128xi1>, vector<256x128xf32>
    %add3A_267 = arith.constant 2688 : i32
    %add3A_268 = vector.broadcast %add3A_267 : i32 to vector<256x128xi32>
    %add3A_269 = arith.addi %iota3A, %add3A_268 : vector<256x128xi32>
    %select_n3A_270 = arith.select %lt3A_265, %add3A_269, %select_n3A_258 : vector<256x128xi1>, vector<256x128xi32>
    %slice3A_271 = vector.extract_strided_slice %get3A_9 {offsets = [0, 2816], sizes = [1, 128], strides = [1, 1]} : vector<1x8192xf32> to vector<1x128xf32>
    %add3A_272 = vector.broadcast %get3A_4 : vector<256x1xf32> to vector<256x128xf32>
    %add3A_273 = vector.broadcast %slice3A_271 : vector<1x128xf32> to vector<256x128xf32>
    %add3A_274 = arith.addf %add3A_272, %add3A_273 : vector<256x128xf32>
    %slice3A_275 = vector.extract_strided_slice %dot_general3A_13 {offsets = [0, 2816], sizes = [256, 128], strides = [1, 1]} : vector<256x4096xf32> to vector<256x128xf32>
    %add3A_276 = arith.addf %add3A_274, %slice3A_275 : vector<256x128xf32>
    %lt3A_277 = arith.cmpf olt, %add3A_276, %select_n3A_266 : vector<256x128xf32>
    %select_n3A_278 = arith.select %lt3A_277, %add3A_276, %select_n3A_266 : vector<256x128xi1>, vector<256x128xf32>
    %add3A_279 = arith.constant 2816 : i32
    %add3A_280 = vector.broadcast %add3A_279 : i32 to vector<256x128xi32>
    %add3A_281 = arith.addi %iota3A, %add3A_280 : vector<256x128xi32>
    %select_n3A_282 = arith.select %lt3A_277, %add3A_281, %select_n3A_270 : vector<256x128xi1>, vector<256x128xi32>
    %slice3A_283 = vector.extract_strided_slice %get3A_9 {offsets = [0, 2944], sizes = [1, 128], strides = [1, 1]} : vector<1x8192xf32> to vector<1x128xf32>
    %add3A_284 = vector.broadcast %get3A_4 : vector<256x1xf32> to vector<256x128xf32>
    %add3A_285 = vector.broadcast %slice3A_283 : vector<1x128xf32> to vector<256x128xf32>
    %add3A_286 = arith.addf %add3A_284, %add3A_285 : vector<256x128xf32>
    %slice3A_287 = vector.extract_strided_slice %dot_general3A_13 {offsets = [0, 2944], sizes = [256, 128], strides = [1, 1]} : vector<256x4096xf32> to vector<256x128xf32>
    %add3A_288 = arith.addf %add3A_286, %slice3A_287 : vector<256x128xf32>
    %lt3A_289 = arith.cmpf olt, %add3A_288, %select_n3A_278 : vector<256x128xf32>
    %select_n3A_290 = arith.select %lt3A_289, %add3A_288, %select_n3A_278 : vector<256x128xi1>, vector<256x128xf32>
    %add3A_291 = arith.constant 2944 : i32
    %add3A_292 = vector.broadcast %add3A_291 : i32 to vector<256x128xi32>
    %add3A_293 = arith.addi %iota3A, %add3A_292 : vector<256x128xi32>
    %select_n3A_294 = arith.select %lt3A_289, %add3A_293, %select_n3A_282 : vector<256x128xi1>, vector<256x128xi32>
    %slice3A_295 = vector.extract_strided_slice %get3A_9 {offsets = [0, 3072], sizes = [1, 128], strides = [1, 1]} : vector<1x8192xf32> to vector<1x128xf32>
    %add3A_296 = vector.broadcast %get3A_4 : vector<256x1xf32> to vector<256x128xf32>
    %add3A_297 = vector.broadcast %slice3A_295 : vector<1x128xf32> to vector<256x128xf32>
    %add3A_298 = arith.addf %add3A_296, %add3A_297 : vector<256x128xf32>
    %slice3A_299 = vector.extract_strided_slice %dot_general3A_13 {offsets = [0, 3072], sizes = [256, 128], strides = [1, 1]} : vector<256x4096xf32> to vector<256x128xf32>
    %add3A_300 = arith.addf %add3A_298, %slice3A_299 : vector<256x128xf32>
    %lt3A_301 = arith.cmpf olt, %add3A_300, %select_n3A_290 : vector<256x128xf32>
    %select_n3A_302 = arith.select %lt3A_301, %add3A_300, %select_n3A_290 : vector<256x128xi1>, vector<256x128xf32>
    %add3A_303 = arith.constant 3072 : i32
    %add3A_304 = vector.broadcast %add3A_303 : i32 to vector<256x128xi32>
    %add3A_305 = arith.addi %iota3A, %add3A_304 : vector<256x128xi32>
    %select_n3A_306 = arith.select %lt3A_301, %add3A_305, %select_n3A_294 : vector<256x128xi1>, vector<256x128xi32>
    %slice3A_307 = vector.extract_strided_slice %get3A_9 {offsets = [0, 3200], sizes = [1, 128], strides = [1, 1]} : vector<1x8192xf32> to vector<1x128xf32>
    %add3A_308 = vector.broadcast %get3A_4 : vector<256x1xf32> to vector<256x128xf32>
    %add3A_309 = vector.broadcast %slice3A_307 : vector<1x128xf32> to vector<256x128xf32>
    %add3A_310 = arith.addf %add3A_308, %add3A_309 : vector<256x128xf32>
    %slice3A_311 = vector.extract_strided_slice %dot_general3A_13 {offsets = [0, 3200], sizes = [256, 128], strides = [1, 1]} : vector<256x4096xf32> to vector<256x128xf32>
    %add3A_312 = arith.addf %add3A_310, %slice3A_311 : vector<256x128xf32>
    %lt3A_313 = arith.cmpf olt, %add3A_312, %select_n3A_302 : vector<256x128xf32>
    %select_n3A_314 = arith.select %lt3A_313, %add3A_312, %select_n3A_302 : vector<256x128xi1>, vector<256x128xf32>
    %add3A_315 = arith.constant 3200 : i32
    %add3A_316 = vector.broadcast %add3A_315 : i32 to vector<256x128xi32>
    %add3A_317 = arith.addi %iota3A, %add3A_316 : vector<256x128xi32>
    %select_n3A_318 = arith.select %lt3A_313, %add3A_317, %select_n3A_306 : vector<256x128xi1>, vector<256x128xi32>
    %slice3A_319 = vector.extract_strided_slice %get3A_9 {offsets = [0, 3328], sizes = [1, 128], strides = [1, 1]} : vector<1x8192xf32> to vector<1x128xf32>
    %add3A_320 = vector.broadcast %get3A_4 : vector<256x1xf32> to vector<256x128xf32>
    %add3A_321 = vector.broadcast %slice3A_319 : vector<1x128xf32> to vector<256x128xf32>
    %add3A_322 = arith.addf %add3A_320, %add3A_321 : vector<256x128xf32>
    %slice3A_323 = vector.extract_strided_slice %dot_general3A_13 {offsets = [0, 3328], sizes = [256, 128], strides = [1, 1]} : vector<256x4096xf32> to vector<256x128xf32>
    %add3A_324 = arith.addf %add3A_322, %slice3A_323 : vector<256x128xf32>
    %lt3A_325 = arith.cmpf olt, %add3A_324, %select_n3A_314 : vector<256x128xf32>
    %select_n3A_326 = arith.select %lt3A_325, %add3A_324, %select_n3A_314 : vector<256x128xi1>, vector<256x128xf32>
    %add3A_327 = arith.constant 3328 : i32
    %add3A_328 = vector.broadcast %add3A_327 : i32 to vector<256x128xi32>
    %add3A_329 = arith.addi %iota3A, %add3A_328 : vector<256x128xi32>
    %select_n3A_330 = arith.select %lt3A_325, %add3A_329, %select_n3A_318 : vector<256x128xi1>, vector<256x128xi32>
    %slice3A_331 = vector.extract_strided_slice %get3A_9 {offsets = [0, 3456], sizes = [1, 128], strides = [1, 1]} : vector<1x8192xf32> to vector<1x128xf32>
    %add3A_332 = vector.broadcast %get3A_4 : vector<256x1xf32> to vector<256x128xf32>
    %add3A_333 = vector.broadcast %slice3A_331 : vector<1x128xf32> to vector<256x128xf32>
    %add3A_334 = arith.addf %add3A_332, %add3A_333 : vector<256x128xf32>
    %slice3A_335 = vector.extract_strided_slice %dot_general3A_13 {offsets = [0, 3456], sizes = [256, 128], strides = [1, 1]} : vector<256x4096xf32> to vector<256x128xf32>
    %add3A_336 = arith.addf %add3A_334, %slice3A_335 : vector<256x128xf32>
    %lt3A_337 = arith.cmpf olt, %add3A_336, %select_n3A_326 : vector<256x128xf32>
    %select_n3A_338 = arith.select %lt3A_337, %add3A_336, %select_n3A_326 : vector<256x128xi1>, vector<256x128xf32>
    %add3A_339 = arith.constant 3456 : i32
    %add3A_340 = vector.broadcast %add3A_339 : i32 to vector<256x128xi32>
    %add3A_341 = arith.addi %iota3A, %add3A_340 : vector<256x128xi32>
    %select_n3A_342 = arith.select %lt3A_337, %add3A_341, %select_n3A_330 : vector<256x128xi1>, vector<256x128xi32>
    %slice3A_343 = vector.extract_strided_slice %get3A_9 {offsets = [0, 3584], sizes = [1, 128], strides = [1, 1]} : vector<1x8192xf32> to vector<1x128xf32>
    %add3A_344 = vector.broadcast %get3A_4 : vector<256x1xf32> to vector<256x128xf32>
    %add3A_345 = vector.broadcast %slice3A_343 : vector<1x128xf32> to vector<256x128xf32>
    %add3A_346 = arith.addf %add3A_344, %add3A_345 : vector<256x128xf32>
    %slice3A_347 = vector.extract_strided_slice %dot_general3A_13 {offsets = [0, 3584], sizes = [256, 128], strides = [1, 1]} : vector<256x4096xf32> to vector<256x128xf32>
    %add3A_348 = arith.addf %add3A_346, %slice3A_347 : vector<256x128xf32>
    %lt3A_349 = arith.cmpf olt, %add3A_348, %select_n3A_338 : vector<256x128xf32>
    %select_n3A_350 = arith.select %lt3A_349, %add3A_348, %select_n3A_338 : vector<256x128xi1>, vector<256x128xf32>
    %add3A_351 = arith.constant 3584 : i32
    %add3A_352 = vector.broadcast %add3A_351 : i32 to vector<256x128xi32>
    %add3A_353 = arith.addi %iota3A, %add3A_352 : vector<256x128xi32>
    %select_n3A_354 = arith.select %lt3A_349, %add3A_353, %select_n3A_342 : vector<256x128xi1>, vector<256x128xi32>
    %slice3A_355 = vector.extract_strided_slice %get3A_9 {offsets = [0, 3712], sizes = [1, 128], strides = [1, 1]} : vector<1x8192xf32> to vector<1x128xf32>
    %add3A_356 = vector.broadcast %get3A_4 : vector<256x1xf32> to vector<256x128xf32>
    %add3A_357 = vector.broadcast %slice3A_355 : vector<1x128xf32> to vector<256x128xf32>
    %add3A_358 = arith.addf %add3A_356, %add3A_357 : vector<256x128xf32>
    %slice3A_359 = vector.extract_strided_slice %dot_general3A_13 {offsets = [0, 3712], sizes = [256, 128], strides = [1, 1]} : vector<256x4096xf32> to vector<256x128xf32>
    %add3A_360 = arith.addf %add3A_358, %slice3A_359 : vector<256x128xf32>
    %lt3A_361 = arith.cmpf olt, %add3A_360, %select_n3A_350 : vector<256x128xf32>
    %select_n3A_362 = arith.select %lt3A_361, %add3A_360, %select_n3A_350 : vector<256x128xi1>, vector<256x128xf32>
    %add3A_363 = arith.constant 3712 : i32
    %add3A_364 = vector.broadcast %add3A_363 : i32 to vector<256x128xi32>
    %add3A_365 = arith.addi %iota3A, %add3A_364 : vector<256x128xi32>
    %select_n3A_366 = arith.select %lt3A_361, %add3A_365, %select_n3A_354 : vector<256x128xi1>, vector<256x128xi32>
    %slice3A_367 = vector.extract_strided_slice %get3A_9 {offsets = [0, 3840], sizes = [1, 128], strides = [1, 1]} : vector<1x8192xf32> to vector<1x128xf32>
    %add3A_368 = vector.broadcast %get3A_4 : vector<256x1xf32> to vector<256x128xf32>
    %add3A_369 = vector.broadcast %slice3A_367 : vector<1x128xf32> to vector<256x128xf32>
    %add3A_370 = arith.addf %add3A_368, %add3A_369 : vector<256x128xf32>
    %slice3A_371 = vector.extract_strided_slice %dot_general3A_13 {offsets = [0, 3840], sizes = [256, 128], strides = [1, 1]} : vector<256x4096xf32> to vector<256x128xf32>
    %add3A_372 = arith.addf %add3A_370, %slice3A_371 : vector<256x128xf32>
    %lt3A_373 = arith.cmpf olt, %add3A_372, %select_n3A_362 : vector<256x128xf32>
    %select_n3A_374 = arith.select %lt3A_373, %add3A_372, %select_n3A_362 : vector<256x128xi1>, vector<256x128xf32>
    %add3A_375 = arith.constant 3840 : i32
    %add3A_376 = vector.broadcast %add3A_375 : i32 to vector<256x128xi32>
    %add3A_377 = arith.addi %iota3A, %add3A_376 : vector<256x128xi32>
    %select_n3A_378 = arith.select %lt3A_373, %add3A_377, %select_n3A_366 : vector<256x128xi1>, vector<256x128xi32>
    %slice3A_379 = vector.extract_strided_slice %get3A_9 {offsets = [0, 3968], sizes = [1, 128], strides = [1, 1]} : vector<1x8192xf32> to vector<1x128xf32>
    %add3A_380 = vector.broadcast %get3A_4 : vector<256x1xf32> to vector<256x128xf32>
    %add3A_381 = vector.broadcast %slice3A_379 : vector<1x128xf32> to vector<256x128xf32>
    %add3A_382 = arith.addf %add3A_380, %add3A_381 : vector<256x128xf32>
    %slice3A_383 = vector.extract_strided_slice %dot_general3A_13 {offsets = [0, 3968], sizes = [256, 128], strides = [1, 1]} : vector<256x4096xf32> to vector<256x128xf32>
    %add3A_384 = arith.addf %add3A_382, %slice3A_383 : vector<256x128xf32>
    %lt3A_385 = arith.cmpf olt, %add3A_384, %select_n3A_374 : vector<256x128xf32>
    %select_n3A_386 = arith.select %lt3A_385, %add3A_384, %select_n3A_374 : vector<256x128xi1>, vector<256x128xf32>
    %add3A_387 = arith.constant 3968 : i32
    %add3A_388 = vector.broadcast %add3A_387 : i32 to vector<256x128xi32>
    %add3A_389 = arith.addi %iota3A, %add3A_388 : vector<256x128xi32>
    %select_n3A_390 = arith.select %lt3A_385, %add3A_389, %select_n3A_378 : vector<256x128xi1>, vector<256x128xi32>
    %reduce_min3A = arith.constant dense<0x7F800000> : vector<256xf32>
    %reduce_min3A_391 = vector.multi_reduction <minimumf>, %select_n3A_386, %reduce_min3A [1] : vector<256x128xf32> to vector<256xf32>
    %broadcast_in_dim3A = vector.shape_cast %reduce_min3A_391 : vector<256xf32> to vector<256x1xf32>
    %eq3A = vector.broadcast %broadcast_in_dim3A : vector<256x1xf32> to vector<256x128xf32>
    %eq3A_392 = arith.cmpf oeq, %select_n3A_386, %eq3A : vector<256x128xf32>
    %jit3A = arith.constant 1073741824 : i32
    %broadcast_in_dim3A_393 = vector.broadcast %jit3A : i32 to vector<256x128xi32>
    %select_n3A_394 = arith.select %eq3A_392, %select_n3A_390, %broadcast_in_dim3A_393 : vector<256x128xi1>, vector<256x128xi32>
    %reduce_min3A_395 = arith.constant dense<2147483647> : vector<256xi32>
    %reduce_min3A_396 = vector.multi_reduction <minsi>, %select_n3A_394, %reduce_min3A_395 [1] : vector<256x128xi32> to vector<256xi32>
    %get3A_397 = arith.constant 0 : index
    %get3A_398 = arith.constant 4096 : index
    %get3A_399 = vector.load %arg3[%get3A_397, %get3A_398] : memref<64x8192xbf16, #tpu.memory_space<vmem>>, vector<64x4096xbf16>
    %dot_general3A_400 = arith.constant dense<0.000000e+00> : vector<256x4096xf32>
    %dot_general3A_401 = tpu.matmul %convert_element_type3A, %get3A_399, %dot_general3A_400 {dimension_numbers = #tpu.dot_dimension_numbers<[1], [0], [0], [1], [0, 0, 1, 1], [], []>, transpose_lhs_hint = false} : vector<256x64xbf16>, vector<64x4096xbf16>, vector<256x4096xf32> -> vector<256x4096xf32>
    %iota3A_402 = tpu.iota {dimensions = array<i32: 1>} : vector<256x128xi32>
    %slice3A_403 = vector.extract_strided_slice %get3A_9 {offsets = [0, 4096], sizes = [1, 128], strides = [1, 1]} : vector<1x8192xf32> to vector<1x128xf32>
    %add3A_404 = vector.broadcast %get3A_4 : vector<256x1xf32> to vector<256x128xf32>
    %add3A_405 = vector.broadcast %slice3A_403 : vector<1x128xf32> to vector<256x128xf32>
    %add3A_406 = arith.addf %add3A_404, %add3A_405 : vector<256x128xf32>
    %slice3A_407 = vector.extract_strided_slice %dot_general3A_401 {offsets = [0, 0], sizes = [256, 128], strides = [1, 1]} : vector<256x4096xf32> to vector<256x128xf32>
    %add3A_408 = arith.addf %add3A_406, %slice3A_407 : vector<256x128xf32>
    %add3A_409 = arith.constant 4096 : i32
    %add3A_410 = vector.broadcast %add3A_409 : i32 to vector<256x128xi32>
    %add3A_411 = arith.addi %iota3A_402, %add3A_410 : vector<256x128xi32>
    %slice3A_412 = vector.extract_strided_slice %get3A_9 {offsets = [0, 4224], sizes = [1, 128], strides = [1, 1]} : vector<1x8192xf32> to vector<1x128xf32>
    %add3A_413 = vector.broadcast %get3A_4 : vector<256x1xf32> to vector<256x128xf32>
    %add3A_414 = vector.broadcast %slice3A_412 : vector<1x128xf32> to vector<256x128xf32>
    %add3A_415 = arith.addf %add3A_413, %add3A_414 : vector<256x128xf32>
    %slice3A_416 = vector.extract_strided_slice %dot_general3A_401 {offsets = [0, 128], sizes = [256, 128], strides = [1, 1]} : vector<256x4096xf32> to vector<256x128xf32>
    %add3A_417 = arith.addf %add3A_415, %slice3A_416 : vector<256x128xf32>
    %lt3A_418 = arith.cmpf olt, %add3A_417, %add3A_408 : vector<256x128xf32>
    %select_n3A_419 = arith.select %lt3A_418, %add3A_417, %add3A_408 : vector<256x128xi1>, vector<256x128xf32>
    %add3A_420 = arith.constant 4224 : i32
    %add3A_421 = vector.broadcast %add3A_420 : i32 to vector<256x128xi32>
    %add3A_422 = arith.addi %iota3A_402, %add3A_421 : vector<256x128xi32>
    %select_n3A_423 = arith.select %lt3A_418, %add3A_422, %add3A_411 : vector<256x128xi1>, vector<256x128xi32>
    %slice3A_424 = vector.extract_strided_slice %get3A_9 {offsets = [0, 4352], sizes = [1, 128], strides = [1, 1]} : vector<1x8192xf32> to vector<1x128xf32>
    %add3A_425 = vector.broadcast %get3A_4 : vector<256x1xf32> to vector<256x128xf32>
    %add3A_426 = vector.broadcast %slice3A_424 : vector<1x128xf32> to vector<256x128xf32>
    %add3A_427 = arith.addf %add3A_425, %add3A_426 : vector<256x128xf32>
    %slice3A_428 = vector.extract_strided_slice %dot_general3A_401 {offsets = [0, 256], sizes = [256, 128], strides = [1, 1]} : vector<256x4096xf32> to vector<256x128xf32>
    %add3A_429 = arith.addf %add3A_427, %slice3A_428 : vector<256x128xf32>
    %lt3A_430 = arith.cmpf olt, %add3A_429, %select_n3A_419 : vector<256x128xf32>
    %select_n3A_431 = arith.select %lt3A_430, %add3A_429, %select_n3A_419 : vector<256x128xi1>, vector<256x128xf32>
    %add3A_432 = arith.constant 4352 : i32
    %add3A_433 = vector.broadcast %add3A_432 : i32 to vector<256x128xi32>
    %add3A_434 = arith.addi %iota3A_402, %add3A_433 : vector<256x128xi32>
    %select_n3A_435 = arith.select %lt3A_430, %add3A_434, %select_n3A_423 : vector<256x128xi1>, vector<256x128xi32>
    %slice3A_436 = vector.extract_strided_slice %get3A_9 {offsets = [0, 4480], sizes = [1, 128], strides = [1, 1]} : vector<1x8192xf32> to vector<1x128xf32>
    %add3A_437 = vector.broadcast %get3A_4 : vector<256x1xf32> to vector<256x128xf32>
    %add3A_438 = vector.broadcast %slice3A_436 : vector<1x128xf32> to vector<256x128xf32>
    %add3A_439 = arith.addf %add3A_437, %add3A_438 : vector<256x128xf32>
    %slice3A_440 = vector.extract_strided_slice %dot_general3A_401 {offsets = [0, 384], sizes = [256, 128], strides = [1, 1]} : vector<256x4096xf32> to vector<256x128xf32>
    %add3A_441 = arith.addf %add3A_439, %slice3A_440 : vector<256x128xf32>
    %lt3A_442 = arith.cmpf olt, %add3A_441, %select_n3A_431 : vector<256x128xf32>
    %select_n3A_443 = arith.select %lt3A_442, %add3A_441, %select_n3A_431 : vector<256x128xi1>, vector<256x128xf32>
    %add3A_444 = arith.constant 4480 : i32
    %add3A_445 = vector.broadcast %add3A_444 : i32 to vector<256x128xi32>
    %add3A_446 = arith.addi %iota3A_402, %add3A_445 : vector<256x128xi32>
    %select_n3A_447 = arith.select %lt3A_442, %add3A_446, %select_n3A_435 : vector<256x128xi1>, vector<256x128xi32>
    %slice3A_448 = vector.extract_strided_slice %get3A_9 {offsets = [0, 4608], sizes = [1, 128], strides = [1, 1]} : vector<1x8192xf32> to vector<1x128xf32>
    %add3A_449 = vector.broadcast %get3A_4 : vector<256x1xf32> to vector<256x128xf32>
    %add3A_450 = vector.broadcast %slice3A_448 : vector<1x128xf32> to vector<256x128xf32>
    %add3A_451 = arith.addf %add3A_449, %add3A_450 : vector<256x128xf32>
    %slice3A_452 = vector.extract_strided_slice %dot_general3A_401 {offsets = [0, 512], sizes = [256, 128], strides = [1, 1]} : vector<256x4096xf32> to vector<256x128xf32>
    %add3A_453 = arith.addf %add3A_451, %slice3A_452 : vector<256x128xf32>
    %lt3A_454 = arith.cmpf olt, %add3A_453, %select_n3A_443 : vector<256x128xf32>
    %select_n3A_455 = arith.select %lt3A_454, %add3A_453, %select_n3A_443 : vector<256x128xi1>, vector<256x128xf32>
    %add3A_456 = arith.constant 4608 : i32
    %add3A_457 = vector.broadcast %add3A_456 : i32 to vector<256x128xi32>
    %add3A_458 = arith.addi %iota3A_402, %add3A_457 : vector<256x128xi32>
    %select_n3A_459 = arith.select %lt3A_454, %add3A_458, %select_n3A_447 : vector<256x128xi1>, vector<256x128xi32>
    %slice3A_460 = vector.extract_strided_slice %get3A_9 {offsets = [0, 4736], sizes = [1, 128], strides = [1, 1]} : vector<1x8192xf32> to vector<1x128xf32>
    %add3A_461 = vector.broadcast %get3A_4 : vector<256x1xf32> to vector<256x128xf32>
    %add3A_462 = vector.broadcast %slice3A_460 : vector<1x128xf32> to vector<256x128xf32>
    %add3A_463 = arith.addf %add3A_461, %add3A_462 : vector<256x128xf32>
    %slice3A_464 = vector.extract_strided_slice %dot_general3A_401 {offsets = [0, 640], sizes = [256, 128], strides = [1, 1]} : vector<256x4096xf32> to vector<256x128xf32>
    %add3A_465 = arith.addf %add3A_463, %slice3A_464 : vector<256x128xf32>
    %lt3A_466 = arith.cmpf olt, %add3A_465, %select_n3A_455 : vector<256x128xf32>
    %select_n3A_467 = arith.select %lt3A_466, %add3A_465, %select_n3A_455 : vector<256x128xi1>, vector<256x128xf32>
    %add3A_468 = arith.constant 4736 : i32
    %add3A_469 = vector.broadcast %add3A_468 : i32 to vector<256x128xi32>
    %add3A_470 = arith.addi %iota3A_402, %add3A_469 : vector<256x128xi32>
    %select_n3A_471 = arith.select %lt3A_466, %add3A_470, %select_n3A_459 : vector<256x128xi1>, vector<256x128xi32>
    %slice3A_472 = vector.extract_strided_slice %get3A_9 {offsets = [0, 4864], sizes = [1, 128], strides = [1, 1]} : vector<1x8192xf32> to vector<1x128xf32>
    %add3A_473 = vector.broadcast %get3A_4 : vector<256x1xf32> to vector<256x128xf32>
    %add3A_474 = vector.broadcast %slice3A_472 : vector<1x128xf32> to vector<256x128xf32>
    %add3A_475 = arith.addf %add3A_473, %add3A_474 : vector<256x128xf32>
    %slice3A_476 = vector.extract_strided_slice %dot_general3A_401 {offsets = [0, 768], sizes = [256, 128], strides = [1, 1]} : vector<256x4096xf32> to vector<256x128xf32>
    %add3A_477 = arith.addf %add3A_475, %slice3A_476 : vector<256x128xf32>
    %lt3A_478 = arith.cmpf olt, %add3A_477, %select_n3A_467 : vector<256x128xf32>
    %select_n3A_479 = arith.select %lt3A_478, %add3A_477, %select_n3A_467 : vector<256x128xi1>, vector<256x128xf32>
    %add3A_480 = arith.constant 4864 : i32
    %add3A_481 = vector.broadcast %add3A_480 : i32 to vector<256x128xi32>
    %add3A_482 = arith.addi %iota3A_402, %add3A_481 : vector<256x128xi32>
    %select_n3A_483 = arith.select %lt3A_478, %add3A_482, %select_n3A_471 : vector<256x128xi1>, vector<256x128xi32>
    %slice3A_484 = vector.extract_strided_slice %get3A_9 {offsets = [0, 4992], sizes = [1, 128], strides = [1, 1]} : vector<1x8192xf32> to vector<1x128xf32>
    %add3A_485 = vector.broadcast %get3A_4 : vector<256x1xf32> to vector<256x128xf32>
    %add3A_486 = vector.broadcast %slice3A_484 : vector<1x128xf32> to vector<256x128xf32>
    %add3A_487 = arith.addf %add3A_485, %add3A_486 : vector<256x128xf32>
    %slice3A_488 = vector.extract_strided_slice %dot_general3A_401 {offsets = [0, 896], sizes = [256, 128], strides = [1, 1]} : vector<256x4096xf32> to vector<256x128xf32>
    %add3A_489 = arith.addf %add3A_487, %slice3A_488 : vector<256x128xf32>
    %lt3A_490 = arith.cmpf olt, %add3A_489, %select_n3A_479 : vector<256x128xf32>
    %select_n3A_491 = arith.select %lt3A_490, %add3A_489, %select_n3A_479 : vector<256x128xi1>, vector<256x128xf32>
    %add3A_492 = arith.constant 4992 : i32
    %add3A_493 = vector.broadcast %add3A_492 : i32 to vector<256x128xi32>
    %add3A_494 = arith.addi %iota3A_402, %add3A_493 : vector<256x128xi32>
    %select_n3A_495 = arith.select %lt3A_490, %add3A_494, %select_n3A_483 : vector<256x128xi1>, vector<256x128xi32>
    %slice3A_496 = vector.extract_strided_slice %get3A_9 {offsets = [0, 5120], sizes = [1, 128], strides = [1, 1]} : vector<1x8192xf32> to vector<1x128xf32>
    %add3A_497 = vector.broadcast %get3A_4 : vector<256x1xf32> to vector<256x128xf32>
    %add3A_498 = vector.broadcast %slice3A_496 : vector<1x128xf32> to vector<256x128xf32>
    %add3A_499 = arith.addf %add3A_497, %add3A_498 : vector<256x128xf32>
    %slice3A_500 = vector.extract_strided_slice %dot_general3A_401 {offsets = [0, 1024], sizes = [256, 128], strides = [1, 1]} : vector<256x4096xf32> to vector<256x128xf32>
    %add3A_501 = arith.addf %add3A_499, %slice3A_500 : vector<256x128xf32>
    %lt3A_502 = arith.cmpf olt, %add3A_501, %select_n3A_491 : vector<256x128xf32>
    %select_n3A_503 = arith.select %lt3A_502, %add3A_501, %select_n3A_491 : vector<256x128xi1>, vector<256x128xf32>
    %add3A_504 = arith.constant 5120 : i32
    %add3A_505 = vector.broadcast %add3A_504 : i32 to vector<256x128xi32>
    %add3A_506 = arith.addi %iota3A_402, %add3A_505 : vector<256x128xi32>
    %select_n3A_507 = arith.select %lt3A_502, %add3A_506, %select_n3A_495 : vector<256x128xi1>, vector<256x128xi32>
    %slice3A_508 = vector.extract_strided_slice %get3A_9 {offsets = [0, 5248], sizes = [1, 128], strides = [1, 1]} : vector<1x8192xf32> to vector<1x128xf32>
    %add3A_509 = vector.broadcast %get3A_4 : vector<256x1xf32> to vector<256x128xf32>
    %add3A_510 = vector.broadcast %slice3A_508 : vector<1x128xf32> to vector<256x128xf32>
    %add3A_511 = arith.addf %add3A_509, %add3A_510 : vector<256x128xf32>
    %slice3A_512 = vector.extract_strided_slice %dot_general3A_401 {offsets = [0, 1152], sizes = [256, 128], strides = [1, 1]} : vector<256x4096xf32> to vector<256x128xf32>
    %add3A_513 = arith.addf %add3A_511, %slice3A_512 : vector<256x128xf32>
    %lt3A_514 = arith.cmpf olt, %add3A_513, %select_n3A_503 : vector<256x128xf32>
    %select_n3A_515 = arith.select %lt3A_514, %add3A_513, %select_n3A_503 : vector<256x128xi1>, vector<256x128xf32>
    %add3A_516 = arith.constant 5248 : i32
    %add3A_517 = vector.broadcast %add3A_516 : i32 to vector<256x128xi32>
    %add3A_518 = arith.addi %iota3A_402, %add3A_517 : vector<256x128xi32>
    %select_n3A_519 = arith.select %lt3A_514, %add3A_518, %select_n3A_507 : vector<256x128xi1>, vector<256x128xi32>
    %slice3A_520 = vector.extract_strided_slice %get3A_9 {offsets = [0, 5376], sizes = [1, 128], strides = [1, 1]} : vector<1x8192xf32> to vector<1x128xf32>
    %add3A_521 = vector.broadcast %get3A_4 : vector<256x1xf32> to vector<256x128xf32>
    %add3A_522 = vector.broadcast %slice3A_520 : vector<1x128xf32> to vector<256x128xf32>
    %add3A_523 = arith.addf %add3A_521, %add3A_522 : vector<256x128xf32>
    %slice3A_524 = vector.extract_strided_slice %dot_general3A_401 {offsets = [0, 1280], sizes = [256, 128], strides = [1, 1]} : vector<256x4096xf32> to vector<256x128xf32>
    %add3A_525 = arith.addf %add3A_523, %slice3A_524 : vector<256x128xf32>
    %lt3A_526 = arith.cmpf olt, %add3A_525, %select_n3A_515 : vector<256x128xf32>
    %select_n3A_527 = arith.select %lt3A_526, %add3A_525, %select_n3A_515 : vector<256x128xi1>, vector<256x128xf32>
    %add3A_528 = arith.constant 5376 : i32
    %add3A_529 = vector.broadcast %add3A_528 : i32 to vector<256x128xi32>
    %add3A_530 = arith.addi %iota3A_402, %add3A_529 : vector<256x128xi32>
    %select_n3A_531 = arith.select %lt3A_526, %add3A_530, %select_n3A_519 : vector<256x128xi1>, vector<256x128xi32>
    %slice3A_532 = vector.extract_strided_slice %get3A_9 {offsets = [0, 5504], sizes = [1, 128], strides = [1, 1]} : vector<1x8192xf32> to vector<1x128xf32>
    %add3A_533 = vector.broadcast %get3A_4 : vector<256x1xf32> to vector<256x128xf32>
    %add3A_534 = vector.broadcast %slice3A_532 : vector<1x128xf32> to vector<256x128xf32>
    %add3A_535 = arith.addf %add3A_533, %add3A_534 : vector<256x128xf32>
    %slice3A_536 = vector.extract_strided_slice %dot_general3A_401 {offsets = [0, 1408], sizes = [256, 128], strides = [1, 1]} : vector<256x4096xf32> to vector<256x128xf32>
    %add3A_537 = arith.addf %add3A_535, %slice3A_536 : vector<256x128xf32>
    %lt3A_538 = arith.cmpf olt, %add3A_537, %select_n3A_527 : vector<256x128xf32>
    %select_n3A_539 = arith.select %lt3A_538, %add3A_537, %select_n3A_527 : vector<256x128xi1>, vector<256x128xf32>
    %add3A_540 = arith.constant 5504 : i32
    %add3A_541 = vector.broadcast %add3A_540 : i32 to vector<256x128xi32>
    %add3A_542 = arith.addi %iota3A_402, %add3A_541 : vector<256x128xi32>
    %select_n3A_543 = arith.select %lt3A_538, %add3A_542, %select_n3A_531 : vector<256x128xi1>, vector<256x128xi32>
    %slice3A_544 = vector.extract_strided_slice %get3A_9 {offsets = [0, 5632], sizes = [1, 128], strides = [1, 1]} : vector<1x8192xf32> to vector<1x128xf32>
    %add3A_545 = vector.broadcast %get3A_4 : vector<256x1xf32> to vector<256x128xf32>
    %add3A_546 = vector.broadcast %slice3A_544 : vector<1x128xf32> to vector<256x128xf32>
    %add3A_547 = arith.addf %add3A_545, %add3A_546 : vector<256x128xf32>
    %slice3A_548 = vector.extract_strided_slice %dot_general3A_401 {offsets = [0, 1536], sizes = [256, 128], strides = [1, 1]} : vector<256x4096xf32> to vector<256x128xf32>
    %add3A_549 = arith.addf %add3A_547, %slice3A_548 : vector<256x128xf32>
    %lt3A_550 = arith.cmpf olt, %add3A_549, %select_n3A_539 : vector<256x128xf32>
    %select_n3A_551 = arith.select %lt3A_550, %add3A_549, %select_n3A_539 : vector<256x128xi1>, vector<256x128xf32>
    %add3A_552 = arith.constant 5632 : i32
    %add3A_553 = vector.broadcast %add3A_552 : i32 to vector<256x128xi32>
    %add3A_554 = arith.addi %iota3A_402, %add3A_553 : vector<256x128xi32>
    %select_n3A_555 = arith.select %lt3A_550, %add3A_554, %select_n3A_543 : vector<256x128xi1>, vector<256x128xi32>
    %slice3A_556 = vector.extract_strided_slice %get3A_9 {offsets = [0, 5760], sizes = [1, 128], strides = [1, 1]} : vector<1x8192xf32> to vector<1x128xf32>
    %add3A_557 = vector.broadcast %get3A_4 : vector<256x1xf32> to vector<256x128xf32>
    %add3A_558 = vector.broadcast %slice3A_556 : vector<1x128xf32> to vector<256x128xf32>
    %add3A_559 = arith.addf %add3A_557, %add3A_558 : vector<256x128xf32>
    %slice3A_560 = vector.extract_strided_slice %dot_general3A_401 {offsets = [0, 1664], sizes = [256, 128], strides = [1, 1]} : vector<256x4096xf32> to vector<256x128xf32>
    %add3A_561 = arith.addf %add3A_559, %slice3A_560 : vector<256x128xf32>
    %lt3A_562 = arith.cmpf olt, %add3A_561, %select_n3A_551 : vector<256x128xf32>
    %select_n3A_563 = arith.select %lt3A_562, %add3A_561, %select_n3A_551 : vector<256x128xi1>, vector<256x128xf32>
    %add3A_564 = arith.constant 5760 : i32
    %add3A_565 = vector.broadcast %add3A_564 : i32 to vector<256x128xi32>
    %add3A_566 = arith.addi %iota3A_402, %add3A_565 : vector<256x128xi32>
    %select_n3A_567 = arith.select %lt3A_562, %add3A_566, %select_n3A_555 : vector<256x128xi1>, vector<256x128xi32>
    %slice3A_568 = vector.extract_strided_slice %get3A_9 {offsets = [0, 5888], sizes = [1, 128], strides = [1, 1]} : vector<1x8192xf32> to vector<1x128xf32>
    %add3A_569 = vector.broadcast %get3A_4 : vector<256x1xf32> to vector<256x128xf32>
    %add3A_570 = vector.broadcast %slice3A_568 : vector<1x128xf32> to vector<256x128xf32>
    %add3A_571 = arith.addf %add3A_569, %add3A_570 : vector<256x128xf32>
    %slice3A_572 = vector.extract_strided_slice %dot_general3A_401 {offsets = [0, 1792], sizes = [256, 128], strides = [1, 1]} : vector<256x4096xf32> to vector<256x128xf32>
    %add3A_573 = arith.addf %add3A_571, %slice3A_572 : vector<256x128xf32>
    %lt3A_574 = arith.cmpf olt, %add3A_573, %select_n3A_563 : vector<256x128xf32>
    %select_n3A_575 = arith.select %lt3A_574, %add3A_573, %select_n3A_563 : vector<256x128xi1>, vector<256x128xf32>
    %add3A_576 = arith.constant 5888 : i32
    %add3A_577 = vector.broadcast %add3A_576 : i32 to vector<256x128xi32>
    %add3A_578 = arith.addi %iota3A_402, %add3A_577 : vector<256x128xi32>
    %select_n3A_579 = arith.select %lt3A_574, %add3A_578, %select_n3A_567 : vector<256x128xi1>, vector<256x128xi32>
    %slice3A_580 = vector.extract_strided_slice %get3A_9 {offsets = [0, 6016], sizes = [1, 128], strides = [1, 1]} : vector<1x8192xf32> to vector<1x128xf32>
    %add3A_581 = vector.broadcast %get3A_4 : vector<256x1xf32> to vector<256x128xf32>
    %add3A_582 = vector.broadcast %slice3A_580 : vector<1x128xf32> to vector<256x128xf32>
    %add3A_583 = arith.addf %add3A_581, %add3A_582 : vector<256x128xf32>
    %slice3A_584 = vector.extract_strided_slice %dot_general3A_401 {offsets = [0, 1920], sizes = [256, 128], strides = [1, 1]} : vector<256x4096xf32> to vector<256x128xf32>
    %add3A_585 = arith.addf %add3A_583, %slice3A_584 : vector<256x128xf32>
    %lt3A_586 = arith.cmpf olt, %add3A_585, %select_n3A_575 : vector<256x128xf32>
    %select_n3A_587 = arith.select %lt3A_586, %add3A_585, %select_n3A_575 : vector<256x128xi1>, vector<256x128xf32>
    %add3A_588 = arith.constant 6016 : i32
    %add3A_589 = vector.broadcast %add3A_588 : i32 to vector<256x128xi32>
    %add3A_590 = arith.addi %iota3A_402, %add3A_589 : vector<256x128xi32>
    %select_n3A_591 = arith.select %lt3A_586, %add3A_590, %select_n3A_579 : vector<256x128xi1>, vector<256x128xi32>
    %slice3A_592 = vector.extract_strided_slice %get3A_9 {offsets = [0, 6144], sizes = [1, 128], strides = [1, 1]} : vector<1x8192xf32> to vector<1x128xf32>
    %add3A_593 = vector.broadcast %get3A_4 : vector<256x1xf32> to vector<256x128xf32>
    %add3A_594 = vector.broadcast %slice3A_592 : vector<1x128xf32> to vector<256x128xf32>
    %add3A_595 = arith.addf %add3A_593, %add3A_594 : vector<256x128xf32>
    %slice3A_596 = vector.extract_strided_slice %dot_general3A_401 {offsets = [0, 2048], sizes = [256, 128], strides = [1, 1]} : vector<256x4096xf32> to vector<256x128xf32>
    %add3A_597 = arith.addf %add3A_595, %slice3A_596 : vector<256x128xf32>
    %lt3A_598 = arith.cmpf olt, %add3A_597, %select_n3A_587 : vector<256x128xf32>
    %select_n3A_599 = arith.select %lt3A_598, %add3A_597, %select_n3A_587 : vector<256x128xi1>, vector<256x128xf32>
    %add3A_600 = arith.constant 6144 : i32
    %add3A_601 = vector.broadcast %add3A_600 : i32 to vector<256x128xi32>
    %add3A_602 = arith.addi %iota3A_402, %add3A_601 : vector<256x128xi32>
    %select_n3A_603 = arith.select %lt3A_598, %add3A_602, %select_n3A_591 : vector<256x128xi1>, vector<256x128xi32>
    %slice3A_604 = vector.extract_strided_slice %get3A_9 {offsets = [0, 6272], sizes = [1, 128], strides = [1, 1]} : vector<1x8192xf32> to vector<1x128xf32>
    %add3A_605 = vector.broadcast %get3A_4 : vector<256x1xf32> to vector<256x128xf32>
    %add3A_606 = vector.broadcast %slice3A_604 : vector<1x128xf32> to vector<256x128xf32>
    %add3A_607 = arith.addf %add3A_605, %add3A_606 : vector<256x128xf32>
    %slice3A_608 = vector.extract_strided_slice %dot_general3A_401 {offsets = [0, 2176], sizes = [256, 128], strides = [1, 1]} : vector<256x4096xf32> to vector<256x128xf32>
    %add3A_609 = arith.addf %add3A_607, %slice3A_608 : vector<256x128xf32>
    %lt3A_610 = arith.cmpf olt, %add3A_609, %select_n3A_599 : vector<256x128xf32>
    %select_n3A_611 = arith.select %lt3A_610, %add3A_609, %select_n3A_599 : vector<256x128xi1>, vector<256x128xf32>
    %add3A_612 = arith.constant 6272 : i32
    %add3A_613 = vector.broadcast %add3A_612 : i32 to vector<256x128xi32>
    %add3A_614 = arith.addi %iota3A_402, %add3A_613 : vector<256x128xi32>
    %select_n3A_615 = arith.select %lt3A_610, %add3A_614, %select_n3A_603 : vector<256x128xi1>, vector<256x128xi32>
    %slice3A_616 = vector.extract_strided_slice %get3A_9 {offsets = [0, 6400], sizes = [1, 128], strides = [1, 1]} : vector<1x8192xf32> to vector<1x128xf32>
    %add3A_617 = vector.broadcast %get3A_4 : vector<256x1xf32> to vector<256x128xf32>
    %add3A_618 = vector.broadcast %slice3A_616 : vector<1x128xf32> to vector<256x128xf32>
    %add3A_619 = arith.addf %add3A_617, %add3A_618 : vector<256x128xf32>
    %slice3A_620 = vector.extract_strided_slice %dot_general3A_401 {offsets = [0, 2304], sizes = [256, 128], strides = [1, 1]} : vector<256x4096xf32> to vector<256x128xf32>
    %add3A_621 = arith.addf %add3A_619, %slice3A_620 : vector<256x128xf32>
    %lt3A_622 = arith.cmpf olt, %add3A_621, %select_n3A_611 : vector<256x128xf32>
    %select_n3A_623 = arith.select %lt3A_622, %add3A_621, %select_n3A_611 : vector<256x128xi1>, vector<256x128xf32>
    %add3A_624 = arith.constant 6400 : i32
    %add3A_625 = vector.broadcast %add3A_624 : i32 to vector<256x128xi32>
    %add3A_626 = arith.addi %iota3A_402, %add3A_625 : vector<256x128xi32>
    %select_n3A_627 = arith.select %lt3A_622, %add3A_626, %select_n3A_615 : vector<256x128xi1>, vector<256x128xi32>
    %slice3A_628 = vector.extract_strided_slice %get3A_9 {offsets = [0, 6528], sizes = [1, 128], strides = [1, 1]} : vector<1x8192xf32> to vector<1x128xf32>
    %add3A_629 = vector.broadcast %get3A_4 : vector<256x1xf32> to vector<256x128xf32>
    %add3A_630 = vector.broadcast %slice3A_628 : vector<1x128xf32> to vector<256x128xf32>
    %add3A_631 = arith.addf %add3A_629, %add3A_630 : vector<256x128xf32>
    %slice3A_632 = vector.extract_strided_slice %dot_general3A_401 {offsets = [0, 2432], sizes = [256, 128], strides = [1, 1]} : vector<256x4096xf32> to vector<256x128xf32>
    %add3A_633 = arith.addf %add3A_631, %slice3A_632 : vector<256x128xf32>
    %lt3A_634 = arith.cmpf olt, %add3A_633, %select_n3A_623 : vector<256x128xf32>
    %select_n3A_635 = arith.select %lt3A_634, %add3A_633, %select_n3A_623 : vector<256x128xi1>, vector<256x128xf32>
    %add3A_636 = arith.constant 6528 : i32
    %add3A_637 = vector.broadcast %add3A_636 : i32 to vector<256x128xi32>
    %add3A_638 = arith.addi %iota3A_402, %add3A_637 : vector<256x128xi32>
    %select_n3A_639 = arith.select %lt3A_634, %add3A_638, %select_n3A_627 : vector<256x128xi1>, vector<256x128xi32>
    %slice3A_640 = vector.extract_strided_slice %get3A_9 {offsets = [0, 6656], sizes = [1, 128], strides = [1, 1]} : vector<1x8192xf32> to vector<1x128xf32>
    %add3A_641 = vector.broadcast %get3A_4 : vector<256x1xf32> to vector<256x128xf32>
    %add3A_642 = vector.broadcast %slice3A_640 : vector<1x128xf32> to vector<256x128xf32>
    %add3A_643 = arith.addf %add3A_641, %add3A_642 : vector<256x128xf32>
    %slice3A_644 = vector.extract_strided_slice %dot_general3A_401 {offsets = [0, 2560], sizes = [256, 128], strides = [1, 1]} : vector<256x4096xf32> to vector<256x128xf32>
    %add3A_645 = arith.addf %add3A_643, %slice3A_644 : vector<256x128xf32>
    %lt3A_646 = arith.cmpf olt, %add3A_645, %select_n3A_635 : vector<256x128xf32>
    %select_n3A_647 = arith.select %lt3A_646, %add3A_645, %select_n3A_635 : vector<256x128xi1>, vector<256x128xf32>
    %add3A_648 = arith.constant 6656 : i32
    %add3A_649 = vector.broadcast %add3A_648 : i32 to vector<256x128xi32>
    %add3A_650 = arith.addi %iota3A_402, %add3A_649 : vector<256x128xi32>
    %select_n3A_651 = arith.select %lt3A_646, %add3A_650, %select_n3A_639 : vector<256x128xi1>, vector<256x128xi32>
    %slice3A_652 = vector.extract_strided_slice %get3A_9 {offsets = [0, 6784], sizes = [1, 128], strides = [1, 1]} : vector<1x8192xf32> to vector<1x128xf32>
    %add3A_653 = vector.broadcast %get3A_4 : vector<256x1xf32> to vector<256x128xf32>
    %add3A_654 = vector.broadcast %slice3A_652 : vector<1x128xf32> to vector<256x128xf32>
    %add3A_655 = arith.addf %add3A_653, %add3A_654 : vector<256x128xf32>
    %slice3A_656 = vector.extract_strided_slice %dot_general3A_401 {offsets = [0, 2688], sizes = [256, 128], strides = [1, 1]} : vector<256x4096xf32> to vector<256x128xf32>
    %add3A_657 = arith.addf %add3A_655, %slice3A_656 : vector<256x128xf32>
    %lt3A_658 = arith.cmpf olt, %add3A_657, %select_n3A_647 : vector<256x128xf32>
    %select_n3A_659 = arith.select %lt3A_658, %add3A_657, %select_n3A_647 : vector<256x128xi1>, vector<256x128xf32>
    %add3A_660 = arith.constant 6784 : i32
    %add3A_661 = vector.broadcast %add3A_660 : i32 to vector<256x128xi32>
    %add3A_662 = arith.addi %iota3A_402, %add3A_661 : vector<256x128xi32>
    %select_n3A_663 = arith.select %lt3A_658, %add3A_662, %select_n3A_651 : vector<256x128xi1>, vector<256x128xi32>
    %slice3A_664 = vector.extract_strided_slice %get3A_9 {offsets = [0, 6912], sizes = [1, 128], strides = [1, 1]} : vector<1x8192xf32> to vector<1x128xf32>
    %add3A_665 = vector.broadcast %get3A_4 : vector<256x1xf32> to vector<256x128xf32>
    %add3A_666 = vector.broadcast %slice3A_664 : vector<1x128xf32> to vector<256x128xf32>
    %add3A_667 = arith.addf %add3A_665, %add3A_666 : vector<256x128xf32>
    %slice3A_668 = vector.extract_strided_slice %dot_general3A_401 {offsets = [0, 2816], sizes = [256, 128], strides = [1, 1]} : vector<256x4096xf32> to vector<256x128xf32>
    %add3A_669 = arith.addf %add3A_667, %slice3A_668 : vector<256x128xf32>
    %lt3A_670 = arith.cmpf olt, %add3A_669, %select_n3A_659 : vector<256x128xf32>
    %select_n3A_671 = arith.select %lt3A_670, %add3A_669, %select_n3A_659 : vector<256x128xi1>, vector<256x128xf32>
    %add3A_672 = arith.constant 6912 : i32
    %add3A_673 = vector.broadcast %add3A_672 : i32 to vector<256x128xi32>
    %add3A_674 = arith.addi %iota3A_402, %add3A_673 : vector<256x128xi32>
    %select_n3A_675 = arith.select %lt3A_670, %add3A_674, %select_n3A_663 : vector<256x128xi1>, vector<256x128xi32>
    %slice3A_676 = vector.extract_strided_slice %get3A_9 {offsets = [0, 7040], sizes = [1, 128], strides = [1, 1]} : vector<1x8192xf32> to vector<1x128xf32>
    %add3A_677 = vector.broadcast %get3A_4 : vector<256x1xf32> to vector<256x128xf32>
    %add3A_678 = vector.broadcast %slice3A_676 : vector<1x128xf32> to vector<256x128xf32>
    %add3A_679 = arith.addf %add3A_677, %add3A_678 : vector<256x128xf32>
    %slice3A_680 = vector.extract_strided_slice %dot_general3A_401 {offsets = [0, 2944], sizes = [256, 128], strides = [1, 1]} : vector<256x4096xf32> to vector<256x128xf32>
    %add3A_681 = arith.addf %add3A_679, %slice3A_680 : vector<256x128xf32>
    %lt3A_682 = arith.cmpf olt, %add3A_681, %select_n3A_671 : vector<256x128xf32>
    %select_n3A_683 = arith.select %lt3A_682, %add3A_681, %select_n3A_671 : vector<256x128xi1>, vector<256x128xf32>
    %add3A_684 = arith.constant 7040 : i32
    %add3A_685 = vector.broadcast %add3A_684 : i32 to vector<256x128xi32>
    %add3A_686 = arith.addi %iota3A_402, %add3A_685 : vector<256x128xi32>
    %select_n3A_687 = arith.select %lt3A_682, %add3A_686, %select_n3A_675 : vector<256x128xi1>, vector<256x128xi32>
    %slice3A_688 = vector.extract_strided_slice %get3A_9 {offsets = [0, 7168], sizes = [1, 128], strides = [1, 1]} : vector<1x8192xf32> to vector<1x128xf32>
    %add3A_689 = vector.broadcast %get3A_4 : vector<256x1xf32> to vector<256x128xf32>
    %add3A_690 = vector.broadcast %slice3A_688 : vector<1x128xf32> to vector<256x128xf32>
    %add3A_691 = arith.addf %add3A_689, %add3A_690 : vector<256x128xf32>
    %slice3A_692 = vector.extract_strided_slice %dot_general3A_401 {offsets = [0, 3072], sizes = [256, 128], strides = [1, 1]} : vector<256x4096xf32> to vector<256x128xf32>
    %add3A_693 = arith.addf %add3A_691, %slice3A_692 : vector<256x128xf32>
    %lt3A_694 = arith.cmpf olt, %add3A_693, %select_n3A_683 : vector<256x128xf32>
    %select_n3A_695 = arith.select %lt3A_694, %add3A_693, %select_n3A_683 : vector<256x128xi1>, vector<256x128xf32>
    %add3A_696 = arith.constant 7168 : i32
    %add3A_697 = vector.broadcast %add3A_696 : i32 to vector<256x128xi32>
    %add3A_698 = arith.addi %iota3A_402, %add3A_697 : vector<256x128xi32>
    %select_n3A_699 = arith.select %lt3A_694, %add3A_698, %select_n3A_687 : vector<256x128xi1>, vector<256x128xi32>
    %slice3A_700 = vector.extract_strided_slice %get3A_9 {offsets = [0, 7296], sizes = [1, 128], strides = [1, 1]} : vector<1x8192xf32> to vector<1x128xf32>
    %add3A_701 = vector.broadcast %get3A_4 : vector<256x1xf32> to vector<256x128xf32>
    %add3A_702 = vector.broadcast %slice3A_700 : vector<1x128xf32> to vector<256x128xf32>
    %add3A_703 = arith.addf %add3A_701, %add3A_702 : vector<256x128xf32>
    %slice3A_704 = vector.extract_strided_slice %dot_general3A_401 {offsets = [0, 3200], sizes = [256, 128], strides = [1, 1]} : vector<256x4096xf32> to vector<256x128xf32>
    %add3A_705 = arith.addf %add3A_703, %slice3A_704 : vector<256x128xf32>
    %lt3A_706 = arith.cmpf olt, %add3A_705, %select_n3A_695 : vector<256x128xf32>
    %select_n3A_707 = arith.select %lt3A_706, %add3A_705, %select_n3A_695 : vector<256x128xi1>, vector<256x128xf32>
    %add3A_708 = arith.constant 7296 : i32
    %add3A_709 = vector.broadcast %add3A_708 : i32 to vector<256x128xi32>
    %add3A_710 = arith.addi %iota3A_402, %add3A_709 : vector<256x128xi32>
    %select_n3A_711 = arith.select %lt3A_706, %add3A_710, %select_n3A_699 : vector<256x128xi1>, vector<256x128xi32>
    %slice3A_712 = vector.extract_strided_slice %get3A_9 {offsets = [0, 7424], sizes = [1, 128], strides = [1, 1]} : vector<1x8192xf32> to vector<1x128xf32>
    %add3A_713 = vector.broadcast %get3A_4 : vector<256x1xf32> to vector<256x128xf32>
    %add3A_714 = vector.broadcast %slice3A_712 : vector<1x128xf32> to vector<256x128xf32>
    %add3A_715 = arith.addf %add3A_713, %add3A_714 : vector<256x128xf32>
    %slice3A_716 = vector.extract_strided_slice %dot_general3A_401 {offsets = [0, 3328], sizes = [256, 128], strides = [1, 1]} : vector<256x4096xf32> to vector<256x128xf32>
    %add3A_717 = arith.addf %add3A_715, %slice3A_716 : vector<256x128xf32>
    %lt3A_718 = arith.cmpf olt, %add3A_717, %select_n3A_707 : vector<256x128xf32>
    %select_n3A_719 = arith.select %lt3A_718, %add3A_717, %select_n3A_707 : vector<256x128xi1>, vector<256x128xf32>
    %add3A_720 = arith.constant 7424 : i32
    %add3A_721 = vector.broadcast %add3A_720 : i32 to vector<256x128xi32>
    %add3A_722 = arith.addi %iota3A_402, %add3A_721 : vector<256x128xi32>
    %select_n3A_723 = arith.select %lt3A_718, %add3A_722, %select_n3A_711 : vector<256x128xi1>, vector<256x128xi32>
    %slice3A_724 = vector.extract_strided_slice %get3A_9 {offsets = [0, 7552], sizes = [1, 128], strides = [1, 1]} : vector<1x8192xf32> to vector<1x128xf32>
    %add3A_725 = vector.broadcast %get3A_4 : vector<256x1xf32> to vector<256x128xf32>
    %add3A_726 = vector.broadcast %slice3A_724 : vector<1x128xf32> to vector<256x128xf32>
    %add3A_727 = arith.addf %add3A_725, %add3A_726 : vector<256x128xf32>
    %slice3A_728 = vector.extract_strided_slice %dot_general3A_401 {offsets = [0, 3456], sizes = [256, 128], strides = [1, 1]} : vector<256x4096xf32> to vector<256x128xf32>
    %add3A_729 = arith.addf %add3A_727, %slice3A_728 : vector<256x128xf32>
    %lt3A_730 = arith.cmpf olt, %add3A_729, %select_n3A_719 : vector<256x128xf32>
    %select_n3A_731 = arith.select %lt3A_730, %add3A_729, %select_n3A_719 : vector<256x128xi1>, vector<256x128xf32>
    %add3A_732 = arith.constant 7552 : i32
    %add3A_733 = vector.broadcast %add3A_732 : i32 to vector<256x128xi32>
    %add3A_734 = arith.addi %iota3A_402, %add3A_733 : vector<256x128xi32>
    %select_n3A_735 = arith.select %lt3A_730, %add3A_734, %select_n3A_723 : vector<256x128xi1>, vector<256x128xi32>
    %slice3A_736 = vector.extract_strided_slice %get3A_9 {offsets = [0, 7680], sizes = [1, 128], strides = [1, 1]} : vector<1x8192xf32> to vector<1x128xf32>
    %add3A_737 = vector.broadcast %get3A_4 : vector<256x1xf32> to vector<256x128xf32>
    %add3A_738 = vector.broadcast %slice3A_736 : vector<1x128xf32> to vector<256x128xf32>
    %add3A_739 = arith.addf %add3A_737, %add3A_738 : vector<256x128xf32>
    %slice3A_740 = vector.extract_strided_slice %dot_general3A_401 {offsets = [0, 3584], sizes = [256, 128], strides = [1, 1]} : vector<256x4096xf32> to vector<256x128xf32>
    %add3A_741 = arith.addf %add3A_739, %slice3A_740 : vector<256x128xf32>
    %lt3A_742 = arith.cmpf olt, %add3A_741, %select_n3A_731 : vector<256x128xf32>
    %select_n3A_743 = arith.select %lt3A_742, %add3A_741, %select_n3A_731 : vector<256x128xi1>, vector<256x128xf32>
    %add3A_744 = arith.constant 7680 : i32
    %add3A_745 = vector.broadcast %add3A_744 : i32 to vector<256x128xi32>
    %add3A_746 = arith.addi %iota3A_402, %add3A_745 : vector<256x128xi32>
    %select_n3A_747 = arith.select %lt3A_742, %add3A_746, %select_n3A_735 : vector<256x128xi1>, vector<256x128xi32>
    %slice3A_748 = vector.extract_strided_slice %get3A_9 {offsets = [0, 7808], sizes = [1, 128], strides = [1, 1]} : vector<1x8192xf32> to vector<1x128xf32>
    %add3A_749 = vector.broadcast %get3A_4 : vector<256x1xf32> to vector<256x128xf32>
    %add3A_750 = vector.broadcast %slice3A_748 : vector<1x128xf32> to vector<256x128xf32>
    %add3A_751 = arith.addf %add3A_749, %add3A_750 : vector<256x128xf32>
    %slice3A_752 = vector.extract_strided_slice %dot_general3A_401 {offsets = [0, 3712], sizes = [256, 128], strides = [1, 1]} : vector<256x4096xf32> to vector<256x128xf32>
    %add3A_753 = arith.addf %add3A_751, %slice3A_752 : vector<256x128xf32>
    %lt3A_754 = arith.cmpf olt, %add3A_753, %select_n3A_743 : vector<256x128xf32>
    %select_n3A_755 = arith.select %lt3A_754, %add3A_753, %select_n3A_743 : vector<256x128xi1>, vector<256x128xf32>
    %add3A_756 = arith.constant 7808 : i32
    %add3A_757 = vector.broadcast %add3A_756 : i32 to vector<256x128xi32>
    %add3A_758 = arith.addi %iota3A_402, %add3A_757 : vector<256x128xi32>
    %select_n3A_759 = arith.select %lt3A_754, %add3A_758, %select_n3A_747 : vector<256x128xi1>, vector<256x128xi32>
    %slice3A_760 = vector.extract_strided_slice %get3A_9 {offsets = [0, 7936], sizes = [1, 128], strides = [1, 1]} : vector<1x8192xf32> to vector<1x128xf32>
    %add3A_761 = vector.broadcast %get3A_4 : vector<256x1xf32> to vector<256x128xf32>
    %add3A_762 = vector.broadcast %slice3A_760 : vector<1x128xf32> to vector<256x128xf32>
    %add3A_763 = arith.addf %add3A_761, %add3A_762 : vector<256x128xf32>
    %slice3A_764 = vector.extract_strided_slice %dot_general3A_401 {offsets = [0, 3840], sizes = [256, 128], strides = [1, 1]} : vector<256x4096xf32> to vector<256x128xf32>
    %add3A_765 = arith.addf %add3A_763, %slice3A_764 : vector<256x128xf32>
    %lt3A_766 = arith.cmpf olt, %add3A_765, %select_n3A_755 : vector<256x128xf32>
    %select_n3A_767 = arith.select %lt3A_766, %add3A_765, %select_n3A_755 : vector<256x128xi1>, vector<256x128xf32>
    %add3A_768 = arith.constant 7936 : i32
    %add3A_769 = vector.broadcast %add3A_768 : i32 to vector<256x128xi32>
    %add3A_770 = arith.addi %iota3A_402, %add3A_769 : vector<256x128xi32>
    %select_n3A_771 = arith.select %lt3A_766, %add3A_770, %select_n3A_759 : vector<256x128xi1>, vector<256x128xi32>
    %slice3A_772 = vector.extract_strided_slice %get3A_9 {offsets = [0, 8064], sizes = [1, 128], strides = [1, 1]} : vector<1x8192xf32> to vector<1x128xf32>
    %add3A_773 = vector.broadcast %get3A_4 : vector<256x1xf32> to vector<256x128xf32>
    %add3A_774 = vector.broadcast %slice3A_772 : vector<1x128xf32> to vector<256x128xf32>
    %add3A_775 = arith.addf %add3A_773, %add3A_774 : vector<256x128xf32>
    %slice3A_776 = vector.extract_strided_slice %dot_general3A_401 {offsets = [0, 3968], sizes = [256, 128], strides = [1, 1]} : vector<256x4096xf32> to vector<256x128xf32>
    %add3A_777 = arith.addf %add3A_775, %slice3A_776 : vector<256x128xf32>
    %lt3A_778 = arith.cmpf olt, %add3A_777, %select_n3A_767 : vector<256x128xf32>
    %select_n3A_779 = arith.select %lt3A_778, %add3A_777, %select_n3A_767 : vector<256x128xi1>, vector<256x128xf32>
    %add3A_780 = arith.constant 8064 : i32
    %add3A_781 = vector.broadcast %add3A_780 : i32 to vector<256x128xi32>
    %add3A_782 = arith.addi %iota3A_402, %add3A_781 : vector<256x128xi32>
    %select_n3A_783 = arith.select %lt3A_778, %add3A_782, %select_n3A_771 : vector<256x128xi1>, vector<256x128xi32>
    %reduce_min3A_784 = arith.constant dense<0x7F800000> : vector<256xf32>
    %reduce_min3A_785 = vector.multi_reduction <minimumf>, %select_n3A_779, %reduce_min3A_784 [1] : vector<256x128xf32> to vector<256xf32>
    %broadcast_in_dim3A_786 = vector.shape_cast %reduce_min3A_785 : vector<256xf32> to vector<256x1xf32>
    %eq3A_787 = vector.broadcast %broadcast_in_dim3A_786 : vector<256x1xf32> to vector<256x128xf32>
    %eq3A_788 = arith.cmpf oeq, %select_n3A_779, %eq3A_787 : vector<256x128xf32>
    %jit3A_789 = arith.constant 1073741824 : i32
    %broadcast_in_dim3A_790 = vector.broadcast %jit3A_789 : i32 to vector<256x128xi32>
    %select_n3A_791 = arith.select %eq3A_788, %select_n3A_783, %broadcast_in_dim3A_790 : vector<256x128xi1>, vector<256x128xi32>
    %reduce_min3A_792 = arith.constant dense<2147483647> : vector<256xi32>
    %reduce_min3A_793 = vector.multi_reduction <minsi>, %select_n3A_791, %reduce_min3A_792 [1] : vector<256x128xi32> to vector<256xi32>
    %convert_element_type3A_794 = arith.truncf %reduce_min3A_391 : vector<256xf32> to vector<256xbf16>
    %convert_element_type3A_795 = arith.extf %convert_element_type3A_794 : vector<256xbf16> to vector<256xf32>
    %lt3A_796 = arith.cmpf olt, %reduce_min3A_785, %convert_element_type3A_795 : vector<256xf32>
    %select_n3A_797 = arith.select %lt3A_796, %reduce_min3A_793, %reduce_min3A_396 : vector<256xi1>, vector<256xi32>
    %swap3A = arith.constant 0 : index
    %swap3A_798 = arith.constant 0 : index
    %swap3A_799 = arith.constant 0 : index
    %swap3A_800 = vector.load %arg5[%swap3A, %swap3A_798, %swap3A_799] : memref<1x1x256xi32, #tpu.memory_space<vmem>>, vector<1x1x256xi32>
    %swap3A_801 = vector.shape_cast %swap3A_800 : vector<1x1x256xi32> to vector<256xi32>
    %swap3A_802 = vector.shape_cast %select_n3A_797 : vector<256xi32> to vector<1x1x256xi32>
    tpu.vector_store %arg5[%swap3A, %swap3A_798, %swap3A_799], %swap3A_802 {strides = array<i32>} : memref<1x1x256xi32, #tpu.memory_space<vmem>>, vector<1x1x256xi32>,
    %select_n3A_803 = arith.select %lt3A_796, %reduce_min3A_785, %reduce_min3A_391 : vector<256xi1>, vector<256xf32>
    %eq3A_804 = arith.constant 0 : i32
    %eq3A_805 = arith.cmpi eq, %arg0, %eq3A_804 : i32
    %convert_element_type3A_806 = arith.extui %eq3A_805 : i1 to i32
    %cond3A = arith.constant 0 : i32
    %cond3A_807 = arith.cmpi ne, %convert_element_type3A_806, %cond3A : i32
    scf.if %cond3A_807 {
      %broadcast_in_dim3A_819 = arith.constant 0.000000e+00 : f32
      %broadcast_in_dim3A_820 = vector.broadcast %broadcast_in_dim3A_819 : f32 to vector<1x1xf32>
      %swap3A_821 = arith.constant 0 : index
      %swap3A_822 = arith.constant 0 : index
      %swap3A_823 = vector.load %arg6[%swap3A_821, %swap3A_822] : memref<1x1xf32, #tpu.memory_space<vmem>>, vector<1x1xf32>
      tpu.vector_store %arg6[%swap3A_821, %swap3A_822], %broadcast_in_dim3A_820 {strides = array<i32>} : memref<1x1xf32, #tpu.memory_space<vmem>>, vector<1x1xf32>,
    } else {
    }
    %get3A_808 = arith.constant 0 : index
    %get3A_809 = arith.constant 0 : index
    %get3A_810 = vector.load %arg6[%get3A_808, %get3A_809] : memref<1x1xf32, #tpu.memory_space<vmem>>, vector<1x1xf32>
    %reduce_sum3A = vector.shape_cast %select_n3A_803 : vector<256xf32> to vector<1x256xf32>
    %reduce_sum3A_811 = arith.constant dense<0.000000e+00> : vector<1xf32>
    %reduce_sum3A_812 = vector.multi_reduction <add>, %reduce_sum3A, %reduce_sum3A_811 [1] : vector<1x256xf32> to vector<1xf32>
    %reduce_sum3A_813 = vector.shape_cast %reduce_sum3A_812 : vector<1xf32> to vector<1x1xf32>
    %reduce_sum3A_814 = vector.extract %reduce_sum3A_813[0, 0] : f32 from vector<1x1xf32>
    %reshape3A = vector.broadcast %reduce_sum3A_814 : f32 to vector<1x1xf32>
    %add3A_815 = arith.addf %get3A_810, %reshape3A : vector<1x1xf32>
    %swap3A_816 = arith.constant 0 : index
    %swap3A_817 = arith.constant 0 : index
    %swap3A_818 = vector.load %arg6[%swap3A_816, %swap3A_817] : memref<1x1xf32, #tpu.memory_space<vmem>>, vector<1x1xf32>
    tpu.vector_store %arg6[%swap3A_816, %swap3A_817], %add3A_815 {strides = array<i32>} : memref<1x1xf32, #tpu.memory_space<vmem>>, vector<1x1xf32>,
    return
  }
  func.func @transform_0(%arg0: i32) -> (i32, i32) {
    %c0_i32 = arith.constant 0 : i32
    %c0_i32_0 = arith.constant 0 : i32
    return %arg0, %c0_i32 : i32, i32
  }
  func.func @transform_1(%arg0: i32) -> (i32, i32) {
    %c0_i32 = arith.constant 0 : i32
    %c0_i32_0 = arith.constant 0 : i32
    return %arg0, %c0_i32 : i32, i32
  }
  func.func @transform_2(%arg0: i32) -> (i32, i32) {
    %c0_i32 = arith.constant 0 : i32
    %c0_i32_0 = arith.constant 0 : i32
    %c0_i32_1 = arith.constant 0 : i32
    return %c0_i32, %c0_i32_0 : i32, i32
  }
  func.func @transform_3(%arg0: i32) -> (i32, i32) {
    %c0_i32 = arith.constant 0 : i32
    %c0_i32_0 = arith.constant 0 : i32
    %c0_i32_1 = arith.constant 0 : i32
    return %c0_i32, %c0_i32_0 : i32, i32
  }
  func.func @transform_4(%arg0: i32) -> (i32, i32, i32) {
    %c0_i32 = arith.constant 0 : i32
    %c0_i32_0 = arith.constant 0 : i32
    %c0_i32_1 = arith.constant 0 : i32
    return %arg0, %c0_i32, %c0_i32_0 : i32, i32, i32
  }
  func.func @transform_5(%arg0: i32) -> (i32, i32) {
    %c0_i32 = arith.constant 0 : i32
    %c0_i32_0 = arith.constant 0 : i32
    %c0_i32_1 = arith.constant 0 : i32
    return %c0_i32, %c0_i32_0 : i32, i32
  }
}

</mosaic_0001>

<sc_bundles>
// kernel: kernel.4.cloned.1.call-start
scs
__scs_entry_jumppad:
0x0: {  	(pc) =	sbr.rel $0x88, $3  }
0x1: {  	(tag) =	ssettag $0x0;
	lr =	simm.s32 $0x1  }
0x2: {  	[smem:$0x3F9F] =	sst lr;
	_ =	strace $0xD0000000  }
0x3: {  	_ = 	snop  }
0x4: {  	_ = 	snop  }
0x5: {  	_ = 	snop  }
0x6: {  	_ = 	snop  }
0x7: {  	_ = 	snop  }
__scs_overlays_trampoline_lowered:
0x8: {  	[smem:$0x3FAE] =	sst s0  }
0x9: {  	[smem:$0x3FAF] =	sst s1  }
0xa: {  	[smem:$0x3FB0] =	sst s2  }
0xb: {  	[smem:$0x3FB1] =	sst s3  }
0xc: {  	[smem:$0x3FB2] =	sst s4  }
0xd: {  	[smem:$0x3FB3] =	sst s5  }
0xe: {  	[smem:$0x3FB4] =	sst s6  }
0xf: {  	[smem:$0x3FB5] =	sst s7  }
0x10: {  	[smem:$0x3FB6] =	sst s8  }
0x11: {  	[smem:$0x3FB7] =	sst s9;
	s0 =	simm.s32 @!p0 $0x0  }
0x12: {  	s1 =	sld [smem:$0x3F9D];
	s0 =	simm.s32 @p0 $0x1  }
0x13: {  	[smem:$0x3FB8] =	sst s0;
	s0 =	simm.s32 @!p1 $0x0  }
0x14: {  	s2 =	sld [smem:$0x3F9C];
	s0 =	simm.s32 @p1 $0x1  }
0x15: {  	[smem:$0x3FB9] =	sst s0;
	s0 =	simm.s32 @!p2 $0x0  }
0x16: {  	s3 =	sld [smem:$0x3FDB];
	s0 =	simm.s32 @p2 $0x1  }
0x17: {  	s4 =	simm.s32 $0x1BF5;
	[smem:$0x3FBB] =	sst s0  }
0x18: {  	s0 =	sld [smem:$0x3F9E];
	_ =	swait.ge [sflag:s4], $0x0  }
0x19: {  	s7 =	sld [smem:$0x3F9F]  }
0x1a: {  	s8 =	sadd.s32 $0xFFFFE003, lr  }
0x1b: {  	s9 =	sadd.s32 $0xFFFFFEF7, lr;
	s5 =	simm.s32 $0xFFFFFFFF;
	p2 =	slt.u32 s8, $0xFFFFF086  }
0x1c: {  	p1 =	slt.u32 s9, $0xF7A;
	s5 =	simm.s32 @!p2 $0x0  }
0x1d: {  	s5 =	simm.s32 @p1 $0x1;
	p0 =	seq.s32 s7, s2  }
0x1e: {  	s7 =	smul.u32 @!p0 $0xF7A, s2;
	p2 =	seq.s32 @!p0 s5, $0x0  }
0x1f: {  	s9 =	smul.u32 $0xF7A, s1;
	s8 =	simm.s32 @!p0 $0x1BF5;
	p2 =	por !p2, p0  }
0x20: {  	[sflag:s8] =	ssyncset.s32 @!p0 $0xFFFFF086;
	s6 =	sadd.s32 @!p0 s3, s7;
	s7 =	simm.s32 @!p0 $0x108  }
0x21: {  	s3 =	sadd.s32 s3, s9;
	s6 =	sadd.s32 @!p0 $0x88, s6;
	s7 =	simm.s32 @p2 $0x1082  }
0x22: {  	[simem:s7], [sflag:s8] =	dma.local @!p0 [hbm:s6], $0xF7A  }
0x23: {  	s9 =	sor.u32 $0xD0000000, s2;
	s6 =	simm.s32 $0x108;
	_ =	swait.ge @!p0 [sflag:s8], $0x0  }
0x24: {  	s3 =	sadd.s32 $0x88, s3;
	s6 =	simm.s32 @!p1 $0x1082;
	[sflag:s4] =	ssyncset.s32 $0xFFFFF086  }
0x25: {  	[simem:s6], [sflag:s4] =	dma.local [hbm:s3], $0xF7A  }
0x26: {  	[smem:$0x3F9F] =	sst s1;
	(tag) =	ssettag s2;
	_ =	strace s9  }
0x27: {  	s1 =	sld [smem:$0x3FAF]  }
0x28: {  	s2 =	sld [smem:$0x3FB0]  }
0x29: {  	s4 =	sld [smem:$0x3FB2]  }
0x2a: {  	p0 =	seq.s32 s5, $0x0;
	s5 =	sld [smem:$0x3FB3]  }
0x2b: {  	s6 =	sld [smem:$0x3FB4]  }
0x2c: {  	s7 =	sld [smem:$0x3FB5]  }
0x2d: {  	s3 =	simm.s32 $0x108;
	s8 =	sld [smem:$0x3FB6]  }
0x2e: {  	s3 =	simm.s32 @!p0 $0x1082;
	s9 =	sld [smem:$0x3FB7]  }
0x2f: {  	lr =	sadd.s32 s0, s3;
	s0 =	sld [smem:$0x3FAE]  }
0x30: {  	s3 =	sld [smem:$0x3FB1]  }
0x31: {  	[smem:$0x3FBA] =	sst s10  }
0x32: {  	s10 =	sld [smem:$0x3FB8];
	_ =	sdelay $0x3  }
0x33: {  	p0 =	seq.s32 s10, $0x1;
	s10 =	sld [smem:$0x3FBA];
	_ =	sdelay $0x3  }
0x34: {  	[smem:$0x3FBA] =	sst s10  }
0x35: {  	s10 =	sld [smem:$0x3FB9];
	_ =	sdelay $0x3  }
0x36: {  	p1 =	seq.s32 s10, $0x1;
	s10 =	sld [smem:$0x3FBA];
	_ =	sdelay $0x3  }
0x37: {  	[smem:$0x3FBA] =	sst s10  }
0x38: {  	s10 =	sld [smem:$0x3FBB]  }
0x39: {  	_ = 	snop;
	(pc) =	sbr.ind lr, $3  }
0x3a: {  	_ = 	snop  }
0x3b: {  	_ = 	snop  }
0x3c: {  	p2 =	seq.s32 s10, $0x1;
	s10 =	sld [smem:$0x3FBA]  }
0x3d: {  	_ =	shalt  }
0x3e: {  	_ =	shalt  }
0x3f: {  	_ =	shalt  }
0x40: {  	_ =	shalt  }
0x41: {  	_ =	shalt  }
0x42: {  	_ =	shalt  }
0x43: {  	_ =	shalt  }
0x44: {  	_ =	shalt  }
0x45: {  	_ =	shalt  }
0x46: {  	_ =	shalt  }
0x47: {  	_ =	shalt  }
0x48: {  	_ =	shalt  }
0x49: {  	_ =	shalt  }
0x4a: {  	_ =	shalt  }
0x4b: {  	_ =	shalt  }
0x4c: {  	_ =	shalt  }
0x4d: {  	_ =	shalt  }
0x4e: {  	_ =	shalt  }
0x4f: {  	_ =	shalt  }
0x50: {  	_ =	shalt  }
0x51: {  	_ =	shalt  }
0x52: {  	_ =	shalt  }
0x53: {  	_ =	shalt  }
0x54: {  	_ =	shalt  }
0x55: {  	_ =	shalt  }
0x56: {  	_ =	shalt  }
0x57: {  	_ =	shalt  }
0x58: {  	_ =	shalt  }
0x59: {  	_ =	shalt  }
0x5a: {  	_ =	shalt  }
0x5b: {  	_ =	shalt  }
0x5c: {  	_ =	shalt  }
0x5d: {  	_ =	shalt  }
0x5e: {  	_ =	shalt  }
0x5f: {  	_ =	shalt  }
0x60: {  	_ =	shalt  }
0x61: {  	_ =	shalt  }
0x62: {  	_ =	shalt  }
0x63: {  	_ =	shalt  }
0x64: {  	_ =	shalt  }
0x65: {  	_ =	shalt  }
0x66: {  	_ =	shalt  }
0x67: {  	_ =	shalt  }
0x68: {  	_ =	shalt  }
0x69: {  	_ =	shalt  }
0x6a: {  	_ =	shalt  }
0x6b: {  	_ =	shalt  }
0x6c: {  	_ =	shalt  }
0x6d: {  	_ =	shalt  }
0x6e: {  	_ =	shalt  }
0x6f: {  	_ =	shalt  }
0x70: {  	_ =	shalt  }
0x71: {  	_ =	shalt  }
0x72: {  	_ =	shalt  }
0x73: {  	_ =	shalt  }
0x74: {  	_ =	shalt  }
0x75: {  	_ =	shalt  }
0x76: {  	_ =	shalt  }
0x77: {  	_ =	shalt  }
0x78: {  	_ =	shalt  }
0x79: {  	_ =	shalt  }
0x7a: {  	_ =	shalt  }
0x7b: {  	_ =	shalt  }
0x7c: {  	_ =	shalt  }
0x7d: {  	_ =	shalt  }
0x7e: {  	_ =	shalt  }
0x7f: {  	_ =	shalt  }
0x80: {  	_ =	shalt  }
0x81: {  	_ =	shalt  }
0x82: {  	_ =	shalt  }
0x83: {  	_ =	shalt  }
0x84: {  	_ =	shalt  }
0x85: {  	_ =	shalt  }
0x86: {  	_ =	shalt  }
0x87: {  	_ =	shalt  }
.Lfunc_end0:
.L_simem_size_0:
called_computation_lowered:
.L_overlay_start_0:
0x88: {  	s2 =	sld [smem:$0x3FD9]  }
0x89: {  	s3 =	sld [smem:$0x3FFE];
	_ =	sdelay $0x1  }
0x8a: {  	s1 =	srdreg.scid  }
0x8b: {  	s0 =	sand.u32 $0x1, s1  }
0x8c: {  	s14 =	sshll.u32 s0, $0xA;
	s2 =	sadd.s32 s3, s2  }
0x8d: {  	s2 =	sadd.s32 s2, s14  }
0x8e: {  	[smem:$0x3FC6] =	sst s2  }
0x8f: {  	_ = 	snop  }
0x90: {  	s2 =	sld [smem:$0x3FD0];
	_ =	sdelay $0x2  }
0x91: {  	s15 =	simm.s32 $0xA;
	s4 =	simm.s32 $0x10  }
0x92: {  	[smem:s4], [sflag:s15] =	dma.local [hbm:s2], $0x1  }
0x93: {  	_ =	swait.eq [sflag:s15], $0x1  }
0x94: {  	[sflag:s15] =	ssyncset.done $0x0  }
0x95: {  	[sflag:s15] =	ssyncadd.s32 $0xFFFFFFFF  }
0x96: {  	s16 =	sld [smem:$0x10];
	(tm) =	ssettm $0x1  }
0x97: {  	s17 =	sld [smem:$0x3FFB];
	_ =	sdelay $0x3  }
0x98: {  	_ =	strace s17  }
0x99: {  	s3 =	sld [smem:$0x3FFC];
	_ =	sdelay $0x3  }
0x9a: {  	_ =	strace s3  }
0x9b: {  	s3 =	sld [smem:$0x3FFD];
	_ =	sdelay $0x3  }
0x9c: {  	_ =	strace s3  }
0x9d: {  	_ =	strace $0x8FFFFFFF  }
0x9e: {  	s18 =	sld [smem:$0x3FDB];
	_ =	sdelay $0x1  }
0x9f: {  	s19 =	simm.s32 $_scs_section_size  }
0xa0: {  	s5 =	simm.s32 $_size__tile_overlayer_lowered;
	s6 =	simm.s32 $_tile_overlayer_lowered  }
0xa1: {  	s22 =	simm.s32 $0x1BFF;
	s21 =	sshll.u32 s6, $0x1;
	s3 =	sadd.s32 s19, s18  }
0xa2: {  	s7 =	simm.s32 $0x0;
	s20 =	sshll.u32 s5, $0x1;
	s5 =	sadd.s32 s21, s3  }
0xa3: {  	[timem:s7], [sflag:s22] =	dma.local [hbm:s5], s20  }
0xa4: {  	_ =	swait.ge [sflag:s22], s20  }
0xa5: {  	s4 =	ssub.s32 $0x0, s20;
	[sflag:s22] =	ssyncset.done $0x0  }
0xa6: {  	[sflag:s22] =	ssyncadd.s32 s4;
	_ =	sdelay $0x1  }
0xa7: {  	s23 =	simm.s32 $0x1B8B  }
0xa8: {  	_ =	swait.ge [sflag:s23], $0x1  }
0xa9: {  	[sflag:s23] =	ssyncset.done $0x0  }
0xaa: {  	s25 =	simm.s32 $0x1B8E;
	s24 =	sld [smem:$0x3FFE];
	[sflag:s23] =	ssyncadd.s32 $0xFFFFFFFF  }
0xab: {  	s26 =	simm.s32 $execute0_lowered;
	[smem:$0x3FD2] =	sst s25  }
0xac: {  	s5 =	sshll.u32 s26, $0x1;
	_ =	strace $0x80000046;
	[dreg:$0x1] =	wrdreg $0xFFFFFFFF  }
0xad: {  	s28 =	simm.s32 $_size_execute0_lowered;
	s3 =	sadd.s32 s3, s5;
	[dreg:$0x0] =	wrdreg $0x0  }
0xae: {  	s5 =	sshll.u32 s28, $0x1;
	[dreg:$0x2] =	wrdreg s3  }
0xaf: {  	[dreg:$0x3] =	wrdreg s5  }
0xb0: {  	[dreg:$0x4] =	wrdreg $0xC0  }
0xb1: {  	_ =	task [dreg:s7], $0x5FFFF  }
0xb2: {  	[dreg:$0x1] =	wrdreg $0xFFFFFFFF  }
0xb3: {  	[dreg:$0x0] =	wrdreg $0x60  }
0xb4: {  	[dreg:$0x2] =	wrdreg s16  }
0xb5: {  	[dreg:$0x3] =	wrdreg s24  }
0xb6: {  	[dreg:$0x4] =	wrdreg $0x9  }
0xb7: {  	_ =	task.clear_ibuf [dreg:s7], $0x5FFFF;
	_ =	strace $0x90000046  }
0xb8: {  	s29 =	simm.s32 $0x9;
	_ =	strace $0x80000048  }
0xb9: {  	_ =	swait.ge [sflag:s29], $0x1  }
0xba: {  	[sflag:s29] =	ssyncadd.s32 $0xFFFFFFFF  }
0xbb: {  	_ =	strace $0x90000048  }
0xbc: {  	_ =	sfence  }
0xbd: {  	s30 =	sld [smem:$0x0];
	_ =	sdelay $0x2  }
0xbe: {  	s31 =	sshll.u32 s1, $0xD;
	s1 =	sshrl.u32 s1, $0x2  }
0xbf: {  	s3 =	sand.u32 $0x4000, s31;
	s1 =	sadd.s32 s1, s30  }
0xc0: {  	s0 =	sor.u32 s3, s0;
	s1 =	sshll.u32 s1, $0x11  }
0xc1: {  	s0 =	sor.u32 s1, s0  }
0xc2: {  	s0 =	sadd.s32 $0x8F2B, s0  }
0xc3: {  	[sflag:s0] =	ssyncadd.remote.s32 $0x1  }
0xc4: {  	_ =	sfence.sel $0xFFFF  }
0xc5: {  	[dreg:$0x0] =	wrdreg $0xFFFFFFFF;
	(pc) =	sbr.abs _section_cstart, $3  }
0xc6: {  	[dreg:$0x1] =	wrdreg $0xFFFFFFFF  }
0xc7: {  	_ =	task.clear_ibuf [dreg:s7], $0x2FFFF;
	_ =	strace $0x9FFFFFFF  }
0xc8: {  	(tm) =	ssettm $0x7FFFFFFF  }
0xc9: {  	_ =	shalt  }
tec
execute0_lowered:
.L_overlay_start_1:
0x0: {  	(tag) =	ssettag $0x1  }
0x1: {  	s1 =	srdreg.scid  }
0x2: {  	s2 =	rddreg [dreg:$0x0];
	s0 =	stileid.u32;
	s14 =	sand.u32 $0x1, s1  }
0x3: {  	s8 =	rddreg [dreg:$0x1];
	s4 =	sshll.u32 s0, $0xA;
	s5 =	sshll.u32 s14, $0x9  }
0x4: {  	s3 =	simm.s32 $0x0;
	s1 =	rddreg [dreg:$0x2];
	s13 =	sor.u32 s5, s4  }
0x5: {  	[smem:$0x7FF] =	sst s3;
	s15 =	sadd.s32 $0x600, s8;
	s4 =	sshrl.u32 s13, $0x3  }
0x6: {  	_ =	strace $0x80000047;
	s5 =	sadd.s32 s15, s4;
	s4 =	simm.s32 $0x2  }
0x7: {  	[tilespmem:s3], [sflag:$0x2] =	stream.linear.gather [hbm4b:s5+s3], $0x80, $0x38;
	[tilespmem:$0x4080] =	vst v63  }
0x8: {  	_ =	swait.ge [sflag:s4], $0x80  }
0x9: {  	[sflag:s4] =	ssyncset.done $0x0  }
0xa: {  	s6 =	simm.s32 $0x80;
	s7 =	simm.s32 $0x1;
	[sflag:s4] =	ssyncadd.s32 $0xFFFFFF80  }
0xb: {  	[tilespmem:s6], [sflag:$0x1] =	stream.indirect.gather [hbm4b:s2+s6], $0x80, s3, s6, $0xb8;
	[tilespmem:$0x4080] =	vst v63  }
0xc: {  	_ =	swait.ge [sflag:s7], $0x4000  }
0xd: {  	s16 =	sadd.s32 $0xE00, s8;
	s29 =	sshll.u32 s13, $0x4;
	[sflag:s7] =	ssyncset.done $0x0  }
0xe: {  	s8 =	sadd.s32 s16, s29;
	[sflag:s7] =	ssyncadd.s32 $0xFFFFC000  }
0xf: {  	[hbm4b:s8+s3] =	stream.linear.scatter [tilespmem:s6], [sflag:$0x2], $0x4000, $0x38;
	[tilespmem:$0x4080] =	vst v63  }
0x10: {  	s10 =	sor.u32 $0x80, s13;
	_ =	swait.ge [sflag:s4], $0x4000  }
0x11: {  	s9 =	sshrl.u32 s10, $0x3;
	[sflag:s4] =	ssyncset.done $0x0  }
0x12: {  	s9 =	sadd.s32 s15, s9;
	[sflag:s4] =	ssyncadd.s32 $0xFFFFC000  }
0x13: {  	[tilespmem:s3], [sflag:$0x2] =	stream.linear.gather [hbm4b:s9+s3], $0x80, $0x38;
	[tilespmem:$0x4080] =	vst v63  }
0x14: {  	_ =	swait.ge [sflag:s4], $0x80  }
0x15: {  	[sflag:s4] =	ssyncset.done $0x0  }
0x16: {  	[sflag:s4] =	ssyncadd.s32 $0xFFFFFF80  }
0x17: {  	[tilespmem:s6], [sflag:$0x1] =	stream.indirect.gather [hbm4b:s2+s6], $0x80, s3, s6, $0xb8;
	[tilespmem:$0x4080] =	vst v63  }
0x18: {  	_ =	swait.ge [sflag:s7], $0x4000  }
0x19: {  	s10 =	sshll.u32 s10, $0x4;
	[sflag:s7] =	ssyncset.done $0x0  }
0x1a: {  	s10 =	sadd.s32 s16, s10;
	[sflag:s7] =	ssyncadd.s32 $0xFFFFC000  }
0x1b: {  	[hbm4b:s10+s3] =	stream.linear.scatter [tilespmem:s6], [sflag:$0x2], $0x4000, $0x38;
	[tilespmem:$0x4080] =	vst v63  }
0x1c: {  	s12 =	sor.u32 $0x100, s13;
	_ =	swait.ge [sflag:s4], $0x4000  }
0x1d: {  	s11 =	sshrl.u32 s12, $0x3;
	[sflag:s4] =	ssyncset.done $0x0  }
0x1e: {  	s11 =	sadd.s32 s15, s11;
	[sflag:s4] =	ssyncadd.s32 $0xFFFFC000  }
0x1f: {  	[tilespmem:s3], [sflag:$0x2] =	stream.linear.gather [hbm4b:s11+s3], $0x80, $0x38;
	[tilespmem:$0x4080] =	vst v63  }
0x20: {  	_ =	swait.ge [sflag:s4], $0x80  }
0x21: {  	[sflag:s4] =	ssyncset.done $0x0  }
0x22: {  	[sflag:s4] =	ssyncadd.s32 $0xFFFFFF80  }
0x23: {  	[tilespmem:s6], [sflag:$0x1] =	stream.indirect.gather [hbm4b:s2+s6], $0x80, s3, s6, $0xb8;
	[tilespmem:$0x4080] =	vst v63  }
0x24: {  	_ =	swait.ge [sflag:s7], $0x4000  }
0x25: {  	s12 =	sshll.u32 s12, $0x4;
	[sflag:s7] =	ssyncset.done $0x0  }
0x26: {  	s12 =	sadd.s32 s16, s12;
	[sflag:s7] =	ssyncadd.s32 $0xFFFFC000  }
0x27: {  	[hbm4b:s12+s3] =	stream.linear.scatter [tilespmem:s6], [sflag:$0x2], $0x4000, $0x38;
	[tilespmem:$0x4080] =	vst v63  }
0x28: {  	s17 =	sor.u32 $0x180, s13;
	_ =	swait.ge [sflag:s4], $0x4000  }
0x29: {  	s13 =	sshrl.u32 s17, $0x3;
	[sflag:s4] =	ssyncset.done $0x0  }
0x2a: {  	s14 =	ssub.s32 $0x2, s14;
	s13 =	sadd.s32 s15, s13;
	[sflag:s4] =	ssyncadd.s32 $0xFFFFC000  }
0x2b: {  	[tilespmem:s3], [sflag:$0x2] =	stream.linear.gather [hbm4b:s13+s3], $0x80, $0x38;
	[tilespmem:$0x4080] =	vst v63  }
0x2c: {  	s30 =	sshrl.u32 s14, $0x1;
	_ =	swait.ge [sflag:s4], $0x80  }
0x2d: {  	s15 =	ssub.s32 s14, s30;
	[sflag:s4] =	ssyncset.done $0x0  }
0x2e: {  	s15 =	smax.u32 s15, $0x1;
	[sflag:s4] =	ssyncadd.s32 $0xFFFFFF80  }
0x2f: {  	[tilespmem:s6], [sflag:$0x1] =	stream.indirect.gather [hbm4b:s2+s6], $0x80, s3, s6, $0xb8;
	[tilespmem:$0x4080] =	vst v63  }
0x30: {  	p0 =	sne.s32 s15, $0x1;
	_ =	swait.ge [sflag:s7], $0x4000  }
.Ltmp0:
0x31: {  	s31 =	sshll.u32 s17, $0x4;
	[sflag:s7] =	ssyncset.done $0x0;
	(pc) =	sbr.rel @!p0 .LBB2_2-.Ltmp0, $4  }
0x32: {  	s14 =	sadd.s32 s16, s31;
	[sflag:s7] =	ssyncadd.s32 $0xFFFFC000  }
0x33: {  	[hbm4b:s14+s3] =	stream.linear.scatter [tilespmem:s6], [sflag:$0x2], $0x4000, $0x38;
	[tilespmem:$0x4080] =	vst v63  }
0x34: {  	_ =	swait.ge [sflag:s4], $0x4000  }
0x35: {  	s15 =	sadd.s32 $0xFFFFFFFF, s15;
	[sflag:s4] =	ssyncset.done $0x0  }
.LBB2_1:
0x36: {  	p0 =	sne.s32 s15, $0x1;
	s15 =	sadd.s32 $0xFFFFFFFF, s15;
	[sflag:s4] =	ssyncadd.s32 $0xFFFFC000  }
0x37: {  	[tilespmem:s3], [sflag:$0x2] =	stream.linear.gather [hbm4b:s5+s3], $0x80, $0x38;
	[tilespmem:$0x4080] =	vst v63  }
0x38: {  	_ =	swait.ge [sflag:s4], $0x80  }
0x39: {  	[sflag:s4] =	ssyncset.done $0x0  }
0x3a: {  	[sflag:s4] =	ssyncadd.s32 $0xFFFFFF80  }
0x3b: {  	[tilespmem:s6], [sflag:$0x1] =	stream.indirect.gather [hbm4b:s2+s6], $0x80, s3, s6, $0xb8;
	[tilespmem:$0x4080] =	vst v63  }
0x3c: {  	_ =	swait.ge [sflag:s7], $0x4000  }
0x3d: {  	[sflag:s7] =	ssyncset.done $0x0  }
0x3e: {  	[sflag:s7] =	ssyncadd.s32 $0xFFFFC000  }
0x3f: {  	[hbm4b:s8+s3] =	stream.linear.scatter [tilespmem:s6], [sflag:$0x2], $0x4000, $0x38;
	[tilespmem:$0x4080] =	vst v63  }
0x40: {  	_ =	swait.ge [sflag:s4], $0x4000  }
0x41: {  	[sflag:s4] =	ssyncset.done $0x0  }
0x42: {  	[sflag:s4] =	ssyncadd.s32 $0xFFFFC000  }
0x43: {  	[tilespmem:s3], [sflag:$0x2] =	stream.linear.gather [hbm4b:s9+s3], $0x80, $0x38;
	[tilespmem:$0x4080] =	vst v63  }
0x44: {  	_ =	swait.ge [sflag:s4], $0x80  }
0x45: {  	[sflag:s4] =	ssyncset.done $0x0  }
0x46: {  	[sflag:s4] =	ssyncadd.s32 $0xFFFFFF80  }
0x47: {  	[tilespmem:s6], [sflag:$0x1] =	stream.indirect.gather [hbm4b:s2+s6], $0x80, s3, s6, $0xb8;
	[tilespmem:$0x4080] =	vst v63  }
0x48: {  	_ =	swait.ge [sflag:s7], $0x4000  }
0x49: {  	[sflag:s7] =	ssyncset.done $0x0  }
0x4a: {  	[sflag:s7] =	ssyncadd.s32 $0xFFFFC000  }
0x4b: {  	[hbm4b:s10+s3] =	stream.linear.scatter [tilespmem:s6], [sflag:$0x2], $0x4000, $0x38;
	[tilespmem:$0x4080] =	vst v63  }
0x4c: {  	_ =	swait.ge [sflag:s4], $0x4000  }
0x4d: {  	[sflag:s4] =	ssyncset.done $0x0  }
0x4e: {  	[sflag:s4] =	ssyncadd.s32 $0xFFFFC000  }
0x4f: {  	[tilespmem:s3], [sflag:$0x2] =	stream.linear.gather [hbm4b:s11+s3], $0x80, $0x38;
	[tilespmem:$0x4080] =	vst v63  }
0x50: {  	_ =	swait.ge [sflag:s4], $0x80  }
0x51: {  	[sflag:s4] =	ssyncset.done $0x0  }
0x52: {  	[sflag:s4] =	ssyncadd.s32 $0xFFFFFF80  }
0x53: {  	[tilespmem:s6], [sflag:$0x1] =	stream.indirect.gather [hbm4b:s2+s6], $0x80, s3, s6, $0xb8;
	[tilespmem:$0x4080] =	vst v63  }
0x54: {  	_ =	swait.ge [sflag:s7], $0x4000  }
0x55: {  	[sflag:s7] =	ssyncset.done $0x0  }
0x56: {  	[sflag:s7] =	ssyncadd.s32 $0xFFFFC000  }
0x57: {  	[hbm4b:s12+s3] =	stream.linear.scatter [tilespmem:s6], [sflag:$0x2], $0x4000, $0x38;
	[tilespmem:$0x4080] =	vst v63  }
0x58: {  	_ =	swait.ge [sflag:s4], $0x4000  }
0x59: {  	[sflag:s4] =	ssyncset.done $0x0  }
0x5a: {  	[sflag:s4] =	ssyncadd.s32 $0xFFFFC000  }
0x5b: {  	[tilespmem:s3], [sflag:$0x2] =	stream.linear.gather [hbm4b:s13+s3], $0x80, $0x38;
	[tilespmem:$0x4080] =	vst v63  }
0x5c: {  	_ =	swait.ge [sflag:s4], $0x80  }
0x5d: {  	[sflag:s4] =	ssyncset.done $0x0  }
0x5e: {  	[sflag:s4] =	ssyncadd.s32 $0xFFFFFF80  }
0x5f: {  	[tilespmem:s6], [sflag:$0x1] =	stream.indirect.gather [hbm4b:s2+s6], $0x80, s3, s6, $0xb8;
	[tilespmem:$0x4080] =	vst v63  }
0x60: {  	_ =	swait.ge [sflag:s7], $0x4000  }
.Ltmp1:
0x61: {  	[sflag:s7] =	ssyncset.done $0x0;
	(pc) =	sbr.rel @p0 .LBB2_1-.Ltmp1, $4  }
0x62: {  	[sflag:s7] =	ssyncadd.s32 $0xFFFFC000  }
0x63: {  	[hbm4b:s14+s3] =	stream.linear.scatter [tilespmem:s6], [sflag:$0x2], $0x4000, $0x38;
	[tilespmem:$0x4080] =	vst v63  }
0x64: {  	_ =	swait.ge [sflag:s4], $0x4000  }
0x65: {  	[sflag:s4] =	ssyncset.done $0x0  }
.LBB2_2:
0x66: {  	[sflag:s4] =	ssyncadd.s32 $0xFFFFC000  }
0x67: {  	_ =	sfence.sel $0x180000  }
0x68: {  	[bflag:$0x0] =	sbarrier.arrive $0xFFFF  }
0x69: {  	p0 =	sne.s32 s0, $0x0;
	_ =	strace $0x90000047  }
0x6a: {  	s0 =	sadd.s32 @!p0 $0x100000, s1;
	[bflag:$0x2] =	sbarrier.arrive $0xFFFF  }
0x6b: {  	[sflag:s0] =	ssyncadd.tile.s32 @!p0 $0x1;
	_ =	shalt  }
.Lfunc_end2:
_tile_overlayer_lowered:
.L_overlay_start_2:
0x6c: {  	(tag) =	ssettag $0x2  }
0x6d: {  	s0 =	rddreg [dreg:$0x0];
	s2 =	stileid.u32  }
0x6e: {  	s1 =	rddreg [dreg:$0x1];
	p0 =	sne.s32 s2, $0x0  }
0x6f: {  	s3 =	rddreg [dreg:$0x2];
	[bflag:$0x3] =	sbarrier.arrive $0xFFFF;
	s2 =	simm.s32 @!p0 $0x1C02  }
0x70: {  	[timem:s3], [sflag:s2] =	dma.local @!p0 [hbm:s0], s1  }
0x71: {  	s0 =	simm.s32 @!p0 $0x2  }
0x72: {  	_ =	swait.ge @!p0 [sflag:s0], s1  }
0x73: {  	s1 =	ssub.s32 @!p0 $0x0, s1;
	[sflag:s0] =	ssyncset.done @!p0 $0x0  }
0x74: {  	[sflag:s0] =	ssyncadd.s32 @!p0 s1  }
0x75: {  	[bflag:$0x3] =	sbarrier.arrive $0xFFFF  }
0x76: {  	_ =	shalt  }

</sc_bundles>
